<compile_context>
chip_gen: v7x
topology: tpu7x:2x2x1
jax: 0.10.2.dev20260603
libtpu: 0.0.44.dev20260713+nightly
codegen_flags: <defaults>
</compile_context>

<pallas_src>
import jax
import jax.numpy as jnp
from jax import lax
from jax.experimental import pallas as pl
from jax.experimental.pallas import tpu as pltpu
from jax.experimental.pallas import tpu_sc as plsc

BATCH = 16384
LATENT = 128
NC = 2
NS = 16
L = 16
NW = NC * NS
BPW = BATCH // NW
CHUNK = 128
NCHUNK = BPW // CHUNK
GROUPS = CHUNK // L
UNROLL = 16


def _mf_body(uid_hbm, iid_hbm, avg_hbm, p_hbm, q_hbm, ub_hbm, ib_hbm,
             out_hbm, ids, rows, small, sem0, sem1, sem_ids, sem_out):
    wid = lax.axis_index("s") * NC + lax.axis_index("c")
    base = wid * BPW
    sem_slot = (sem0, sem1)
    UB, IB, AVG, OUT = 0, 1, 2, 3

    def chunk_copies(k, buf):
        ck = pl.ds(k * CHUNK, CHUNK)
        uk = ids.at[0, ck]
        ik = ids.at[1, ck]
        sem = sem_slot[buf]
        return (pltpu.make_async_copy(p_hbm.at[uk], rows.at[2 * buf], sem),
                pltpu.make_async_copy(q_hbm.at[ik], rows.at[2 * buf + 1], sem),
                pltpu.make_async_copy(ub_hbm.at[uk], small.at[UB, ck], sem),
                pltpu.make_async_copy(ib_hbm.at[ik], small.at[IB, ck], sem))

    def issue(k, buf):
        for cp in chunk_copies(k, buf):
            cp.start()

    def drain(k, buf):
        for cp in chunk_copies(k, buf):
            cp.wait()

    cp_u0 = pltpu.async_copy(uid_hbm.at[pl.ds(base, CHUNK)],
                             ids.at[0, pl.ds(0, CHUNK)], sem_ids)
    cp_i0 = pltpu.async_copy(iid_hbm.at[pl.ds(base, CHUNK)],
                             ids.at[1, pl.ds(0, CHUNK)], sem_ids)
    cp_u0.wait()
    cp_i0.wait()
    issue(0, 0)

    rest = BPW - CHUNK
    cp_ur = pltpu.async_copy(uid_hbm.at[pl.ds(base + CHUNK, rest)],
                             ids.at[0, pl.ds(CHUNK, rest)], sem_ids)
    cp_ir = pltpu.async_copy(iid_hbm.at[pl.ds(base + CHUNK, rest)],
                             ids.at[1, pl.ds(CHUNK, rest)], sem_ids)
    cp_av = pltpu.async_copy(avg_hbm.at[pl.ds(base, BPW)],
                             small.at[AVG], sem_ids)
    cp_ur.wait()
    cp_ir.wait()
    cp_av.wait()
    issue(1, 1)

    lane = lax.iota(jnp.int32, L)
    ub16 = jnp.full((L,), UB, jnp.int32)
    ib16 = jnp.full((L,), IB, jnp.int32)
    av16 = jnp.full((L,), AVG, jnp.int32)
    ot16 = jnp.full((L,), OUT, jnp.int32)

    def compute_chunk(k, buf):
        p_rows, q_rows = rows.at[2 * buf], rows.at[2 * buf + 1]

        @pl.loop(0, GROUPS)
        def _(g):
            rows16 = lane + g * L

            def dbody(m, accs, rows16=rows16):
                a0, a1 = accs
                c0 = m * UNROLL
                for u in range(UNROLL):
                    col = (lane + (c0 + u)) & (LATENT - 1)
                    pv = plsc.load_gather(p_rows, [rows16, col])
                    qv = plsc.load_gather(q_rows, [rows16, col])
                    if u % 2 == 0:
                        a0 = a0 + pv * qv
                    else:
                        a1 = a1 + pv * qv
                return a0, a1

            zero = jnp.zeros((L,), jnp.float32)
            a0, a1 = lax.fori_loop(0, LATENT // UNROLL, dbody, (zero, zero))
            bidx = rows16 + k * CHUNK
            ubv = plsc.load_gather(small, [ub16, bidx])
            ibv = plsc.load_gather(small, [ib16, bidx])
            avv = plsc.load_gather(small, [av16, bidx])
            plsc.store_scatter(small, [ot16, bidx], (a0 + a1) + ubv + ibv + avv)

        pltpu.make_async_copy(
            small.at[OUT, pl.ds(k * CHUNK, CHUNK)],
            out_hbm.at[pl.ds(base + k * CHUNK, CHUNK)], sem_out).start()

    @pl.loop(0, NCHUNK, step=2)
    def _(kb):
        for half in range(2):
            k = kb + half
            drain(k, half)
            compute_chunk(k, half)

            @pl.when(k + 2 < NCHUNK)
            def _():
                issue(k + 2, half)

    for k in range(NCHUNK):
        pltpu.make_async_copy(
            small.at[OUT, pl.ds(k * CHUNK, CHUNK)],
            out_hbm.at[pl.ds(base + k * CHUNK, CHUNK)], sem_out).wait()


def _mf(user_id, item_id, avg, P, Q, ub, ib):
    mesh = plsc.VectorSubcoreMesh(core_axis_name="c", subcore_axis_name="s")
    return pl.kernel(
        _mf_body,
        mesh=mesh,
        compiler_params=pltpu.CompilerParams(needs_layout_passes=False),
        out_type=jax.ShapeDtypeStruct((BATCH,), jnp.float32),
        scratch_types=[
            pltpu.VMEM((2, BPW), jnp.int32),
            pltpu.VMEM((4, CHUNK, LATENT), jnp.float32),
            pltpu.VMEM((4, BPW), jnp.float32),
            pltpu.SemaphoreType.DMA,
            pltpu.SemaphoreType.DMA,
            pltpu.SemaphoreType.DMA,
            pltpu.SemaphoreType.DMA,
        ],
    )(user_id, item_id, avg, P, Q, ub, ib)


def kernel(user_id, item_id, avg_score, P, Q, user_bias, item_bias):
    pad = (-user_bias.shape[0]) % 1024
    ubp = jnp.pad(user_bias, ((0, pad), (0, 0))).reshape(-1)
    ibp = jnp.pad(item_bias, ((0, pad), (0, 0))).reshape(-1)
    out = _mf(user_id.astype(jnp.int32), item_id.astype(jnp.int32),
              avg_score.reshape(-1), P, Q, ubp, ibp)
    return out.reshape(BATCH, 1)

# --- scband reference (transcript-rebuilt; emitter-appended) ---
"""Pipeline reference for scband-mf-layer-57629871177911 (READ-ONLY COPY).

The authoritative reference and input builder live on the scoring server;
editing this copy changes nothing except your own understanding.
"""

import jax, jax.numpy as jnp
import numpy as np

USER_NUM = 100000
ITEM_NUM = 100000
LATENT_DIM = 128
BATCH = 16384
USE_BIAS = True
IMPLICIT = False


def setup_inputs(seed: int = 0) -> dict:
    key = jax.random.key(seed)
    k1, k2, k3, k4, k5, k6, k7 = jax.random.split(key, 7)
    user_id = jax.random.randint(k1, (BATCH,), 0, USER_NUM, dtype=jnp.int64 if jax.config.jax_enable_x64 else jnp.int32)
    item_id = jax.random.randint(k2, (BATCH,), 0, ITEM_NUM, dtype=jnp.int64 if jax.config.jax_enable_x64 else jnp.int32)
    avg_score = jax.random.uniform(k3, (BATCH, 1), dtype=jnp.float32)
    P = jax.random.normal(k4, (USER_NUM, LATENT_DIM), dtype=jnp.float32) * 0.05
    Q = jax.random.normal(k5, (ITEM_NUM, LATENT_DIM), dtype=jnp.float32) * 0.05
    user_bias = jax.random.normal(k6, (USER_NUM, 1), dtype=jnp.float32) * 0.05
    item_bias = jax.random.normal(k7, (ITEM_NUM, 1), dtype=jnp.float32) * 0.05
    return {"user_id": user_id, "item_id": item_id, "avg_score": avg_score,
            "P": P, "Q": Q, "user_bias": user_bias, "item_bias": item_bias}


def reference(user_id, item_id, avg_score, P, Q, user_bias, item_bias):
    latent_user = jnp.take(P, user_id, axis=0)
    latent_item = jnp.take(Q, item_id, axis=0)
    outputs = jnp.sum(latent_user * latent_item, axis=1, keepdims=True)
    ub = jnp.take(user_bias, user_id, axis=0)
    ib = jnp.take(item_bias, item_id, axis=0)
    bias = jnp.reshape(avg_score + ub + ib, (-1, 1))
    if USE_BIAS:
        outputs = bias + outputs
    if IMPLICIT:
        outputs = jax.nn.sigmoid(outputs)
    return outputs

if __name__ == "__main__":
    import jax
    _d = setup_inputs()
    print(jax.jit(kernel)(*tuple(_d.values())))

</pallas_src>

<mosaic_0001>
#map = affine_map<(d0, d1) -> (0)>
#map1 = affine_map<(d0, d1) -> (0, 0)>
module attributes {stable_mosaic.version = 14 : i64} {
  func.func @_mf_body(%arg0: i32, %arg1: i32, %arg2: memref<16384xi32, #tpu.memory_space<hbm>>, %arg3: memref<16384xi32, #tpu.memory_space<hbm>>, %arg4: memref<16384xf32, #tpu.memory_space<hbm>>, %arg5: memref<100000x128xf32, #tpu.memory_space<hbm>>, %arg6: memref<100000x128xf32, #tpu.memory_space<hbm>>, %arg7: memref<100352xf32, #tpu.memory_space<hbm>>, %arg8: memref<100352xf32, #tpu.memory_space<hbm>>, %arg9: memref<16384xf32, #tpu.memory_space<hbm>>, %arg10: memref<2x512xi32, #tpu.memory_space<vmem>>, %arg11: memref<4x128x128xf32, #tpu.memory_space<vmem>>, %arg12: memref<4x512xf32, #tpu.memory_space<vmem>>, %arg13: memref<!tpu.dma_semaphore, #tpu.memory_space<semaphore_mem>>, %arg14: memref<!tpu.dma_semaphore, #tpu.memory_space<semaphore_mem>>, %arg15: memref<!tpu.dma_semaphore, #tpu.memory_space<semaphore_mem>>, %arg16: memref<!tpu.dma_semaphore, #tpu.memory_space<semaphore_mem>>) attributes {dimension_semantics = [#tpu.dimension_semantics<core_parallel>, #tpu.dimension_semantics<subcore_parallel>], iteration_bounds = array<i64: 2, 16>, scalar_prefetch = 0 : i64, scratch_operands = 7 : i64, tpu.core_type = #tpu.core_type<sc_vector_subcore>, window_params = [{transform_indices = #map}, {transform_indices = #map}, {transform_indices = #map}, {transform_indices = #map1}, {transform_indices = #map1}, {transform_indices = #map}, {transform_indices = #map}, {transform_indices = #map}]} {
    %mul3A = arith.constant 2 : i32
    %mul3A_0 = arith.muli %arg1, %mul3A : i32
    %add3A = arith.addi %mul3A_0, %arg0 : i32
    %mul3A_1 = arith.constant 512 : i32
    %mul3A_2 = arith.muli %add3A, %mul3A_1 : i32
    %dma_start3A = arith.constant 0 : i32
    %dma_start3A_3 = arith.constant 0 : i32
    %dma_start3A_4 = tpu.memref_slice %arg10[%dma_start3A, %dma_start3A_3] : memref<2x512xi32, #tpu.memory_space<vmem>> -> memref<1x128xi32, #tpu.memory_space<vmem>>
    %dma_start3A_5 = tpu.memref_squeeze %dma_start3A_4 : memref<1x128xi32, #tpu.memory_space<vmem>> -> memref<128xi32, #tpu.memory_space<vmem>>
    %dma_start3A_6 = tpu.memref_slice %arg2[%mul3A_2] : memref<16384xi32, #tpu.memory_space<hbm>> -> memref<128xi32, #tpu.memory_space<hbm>>
    %dma_start3A_7 = arith.constant 0 : i32
    %dma_start3A_8 = tpu.memref_slice %arg10[%dma_start3A, %dma_start3A_7] : memref<2x512xi32, #tpu.memory_space<vmem>> -> memref<1x128xi32, #tpu.memory_space<vmem>>
    %dma_start3A_9 = tpu.memref_squeeze %dma_start3A_8 : memref<1x128xi32, #tpu.memory_space<vmem>> -> memref<128xi32, #tpu.memory_space<vmem>>
    %dma_start3A_10 = tpu.memref_slice %arg2[%mul3A_2] : memref<16384xi32, #tpu.memory_space<hbm>> -> memref<128xi32, #tpu.memory_space<hbm>>
    tpu.enqueue_dma source(%dma_start3A_10 : memref<128xi32, #tpu.memory_space<hbm>>) target(%dma_start3A_9 : memref<128xi32, #tpu.memory_space<vmem>>) target_semaphore(%arg15 : memref<!tpu.dma_semaphore, #tpu.memory_space<semaphore_mem>>)
    %dma_start3A_11 = arith.constant 1 : i32
    %dma_start3A_12 = arith.constant 0 : i32
    %dma_start3A_13 = tpu.memref_slice %arg10[%dma_start3A_11, %dma_start3A_12] : memref<2x512xi32, #tpu.memory_space<vmem>> -> memref<1x128xi32, #tpu.memory_space<vmem>>
    %dma_start3A_14 = tpu.memref_squeeze %dma_start3A_13 : memref<1x128xi32, #tpu.memory_space<vmem>> -> memref<128xi32, #tpu.memory_space<vmem>>
    %dma_start3A_15 = tpu.memref_slice %arg3[%mul3A_2] : memref<16384xi32, #tpu.memory_space<hbm>> -> memref<128xi32, #tpu.memory_space<hbm>>
    %dma_start3A_16 = arith.constant 0 : i32
    %dma_start3A_17 = tpu.memref_slice %arg10[%dma_start3A_11, %dma_start3A_16] : memref<2x512xi32, #tpu.memory_space<vmem>> -> memref<1x128xi32, #tpu.memory_space<vmem>>
    %dma_start3A_18 = tpu.memref_squeeze %dma_start3A_17 : memref<1x128xi32, #tpu.memory_space<vmem>> -> memref<128xi32, #tpu.memory_space<vmem>>
    %dma_start3A_19 = tpu.memref_slice %arg3[%mul3A_2] : memref<16384xi32, #tpu.memory_space<hbm>> -> memref<128xi32, #tpu.memory_space<hbm>>
    tpu.enqueue_dma source(%dma_start3A_19 : memref<128xi32, #tpu.memory_space<hbm>>) target(%dma_start3A_18 : memref<128xi32, #tpu.memory_space<vmem>>) target_semaphore(%arg15 : memref<!tpu.dma_semaphore, #tpu.memory_space<semaphore_mem>>)
    %dma_wait3A = arith.constant 0 : i32
    %dma_wait3A_20 = arith.constant 0 : i32
    %dma_wait3A_21 = tpu.memref_slice %arg10[%dma_wait3A, %dma_wait3A_20] : memref<2x512xi32, #tpu.memory_space<vmem>> -> memref<1x128xi32, #tpu.memory_space<vmem>>
    %dma_wait3A_22 = tpu.memref_squeeze %dma_wait3A_21 : memref<1x128xi32, #tpu.memory_space<vmem>> -> memref<128xi32, #tpu.memory_space<vmem>>
    %dma_wait3A_23 = tpu.memref_slice %arg2[%mul3A_2] : memref<16384xi32, #tpu.memory_space<hbm>> -> memref<128xi32, #tpu.memory_space<hbm>>
    %dma_wait3A_24 = arith.constant 0 : i32
    %dma_wait3A_25 = tpu.memref_slice %arg10[%dma_wait3A, %dma_wait3A_24] : memref<2x512xi32, #tpu.memory_space<vmem>> -> memref<1x128xi32, #tpu.memory_space<vmem>>
    %dma_wait3A_26 = tpu.memref_squeeze %dma_wait3A_25 : memref<1x128xi32, #tpu.memory_space<vmem>> -> memref<128xi32, #tpu.memory_space<vmem>>
    %dma_wait3A_27 = tpu.memref_slice %arg2[%mul3A_2] : memref<16384xi32, #tpu.memory_space<hbm>> -> memref<128xi32, #tpu.memory_space<hbm>>
    tpu.wait_dma2 semaphore(%arg15 : memref<!tpu.dma_semaphore, #tpu.memory_space<semaphore_mem>>) src(%dma_wait3A_27 : memref<128xi32, #tpu.memory_space<hbm>>) dst(%dma_wait3A_26 : memref<128xi32, #tpu.memory_space<vmem>>)
    %dma_wait3A_28 = arith.constant 1 : i32
    %dma_wait3A_29 = arith.constant 0 : i32
    %dma_wait3A_30 = tpu.memref_slice %arg10[%dma_wait3A_28, %dma_wait3A_29] : memref<2x512xi32, #tpu.memory_space<vmem>> -> memref<1x128xi32, #tpu.memory_space<vmem>>
    %dma_wait3A_31 = tpu.memref_squeeze %dma_wait3A_30 : memref<1x128xi32, #tpu.memory_space<vmem>> -> memref<128xi32, #tpu.memory_space<vmem>>
    %dma_wait3A_32 = tpu.memref_slice %arg3[%mul3A_2] : memref<16384xi32, #tpu.memory_space<hbm>> -> memref<128xi32, #tpu.memory_space<hbm>>
    %dma_wait3A_33 = arith.constant 0 : i32
    %dma_wait3A_34 = tpu.memref_slice %arg10[%dma_wait3A_28, %dma_wait3A_33] : memref<2x512xi32, #tpu.memory_space<vmem>> -> memref<1x128xi32, #tpu.memory_space<vmem>>
    %dma_wait3A_35 = tpu.memref_squeeze %dma_wait3A_34 : memref<1x128xi32, #tpu.memory_space<vmem>> -> memref<128xi32, #tpu.memory_space<vmem>>
    %dma_wait3A_36 = tpu.memref_slice %arg3[%mul3A_2] : memref<16384xi32, #tpu.memory_space<hbm>> -> memref<128xi32, #tpu.memory_space<hbm>>
    tpu.wait_dma2 semaphore(%arg15 : memref<!tpu.dma_semaphore, #tpu.memory_space<semaphore_mem>>) src(%dma_wait3A_36 : memref<128xi32, #tpu.memory_space<hbm>>) dst(%dma_wait3A_35 : memref<128xi32, #tpu.memory_space<vmem>>)
    %dma_start3A_37 = arith.constant 0 : i32
    %dma_start3A_38 = arith.constant 0 : i32
    %dma_start3A_39 = arith.constant 0 : i32
    %dma_start3A_40 = arith.constant 0 : i32
    %dma_start3A_41 = tpu.memref_slice %arg11[%dma_start3A_38, %dma_start3A_39, %dma_start3A_40] : memref<4x128x128xf32, #tpu.memory_space<vmem>> -> memref<1x128x128xf32, #tpu.memory_space<vmem>>
    %dma_start3A_42 = tpu.memref_squeeze %dma_start3A_41 : memref<1x128x128xf32, #tpu.memory_space<vmem>> -> memref<128x128xf32, #tpu.memory_space<vmem>>
    %dma_start3A_43 = arith.constant 0 : i32
    %dma_start3A_44 = tpu.memref_slice %arg10[%dma_start3A_37, %dma_start3A_43] : memref<2x512xi32, #tpu.memory_space<vmem>> -> memref<1x128xi32, #tpu.memory_space<vmem>>
    %dma_start3A_45 = tpu.memref_squeeze %dma_start3A_44 : memref<1x128xi32, #tpu.memory_space<vmem>> -> memref<128xi32, #tpu.memory_space<vmem>>
    %dma_start3A_46 = arith.constant 0 : i32
    %dma_start3A_47 = arith.constant 0 : i32
    %dma_start3A_48 = tpu.memref_slice %arg5[%dma_start3A_46, %dma_start3A_47] : memref<100000x128xf32, #tpu.memory_space<hbm>> -> memref<100000x128xf32, #tpu.memory_space<hbm>>
    tpu.enqueue_indirect_dma source(%dma_start3A_48 : memref<100000x128xf32, #tpu.memory_space<hbm>>) target(%dma_start3A_42 : memref<128x128xf32, #tpu.memory_space<vmem>>) offsets(%dma_start3A_45 : memref<128xi32, #tpu.memory_space<vmem>>) semaphore(%arg13 : memref<!tpu.dma_semaphore, #tpu.memory_space<semaphore_mem>>)
    %dma_start3A_49 = arith.constant 1 : i32
    %dma_start3A_50 = arith.constant 1 : i32
    %dma_start3A_51 = arith.constant 0 : i32
    %dma_start3A_52 = arith.constant 0 : i32
    %dma_start3A_53 = tpu.memref_slice %arg11[%dma_start3A_50, %dma_start3A_51, %dma_start3A_52] : memref<4x128x128xf32, #tpu.memory_space<vmem>> -> memref<1x128x128xf32, #tpu.memory_space<vmem>>
    %dma_start3A_54 = tpu.memref_squeeze %dma_start3A_53 : memref<1x128x128xf32, #tpu.memory_space<vmem>> -> memref<128x128xf32, #tpu.memory_space<vmem>>
    %dma_start3A_55 = arith.constant 0 : i32
    %dma_start3A_56 = tpu.memref_slice %arg10[%dma_start3A_49, %dma_start3A_55] : memref<2x512xi32, #tpu.memory_space<vmem>> -> memref<1x128xi32, #tpu.memory_space<vmem>>
    %dma_start3A_57 = tpu.memref_squeeze %dma_start3A_56 : memref<1x128xi32, #tpu.memory_space<vmem>> -> memref<128xi32, #tpu.memory_space<vmem>>
    %dma_start3A_58 = arith.constant 0 : i32
    %dma_start3A_59 = arith.constant 0 : i32
    %dma_start3A_60 = tpu.memref_slice %arg6[%dma_start3A_58, %dma_start3A_59] : memref<100000x128xf32, #tpu.memory_space<hbm>> -> memref<100000x128xf32, #tpu.memory_space<hbm>>
    tpu.enqueue_indirect_dma source(%dma_start3A_60 : memref<100000x128xf32, #tpu.memory_space<hbm>>) target(%dma_start3A_54 : memref<128x128xf32, #tpu.memory_space<vmem>>) offsets(%dma_start3A_57 : memref<128xi32, #tpu.memory_space<vmem>>) semaphore(%arg13 : memref<!tpu.dma_semaphore, #tpu.memory_space<semaphore_mem>>)
    %dma_start3A_61 = arith.constant 0 : i32
    %dma_start3A_62 = arith.constant 0 : i32
    %dma_start3A_63 = arith.constant 0 : i32
    %dma_start3A_64 = tpu.memref_slice %arg12[%dma_start3A_62, %dma_start3A_63] : memref<4x512xf32, #tpu.memory_space<vmem>> -> memref<1x128xf32, #tpu.memory_space<vmem>>
    %dma_start3A_65 = tpu.memref_squeeze %dma_start3A_64 : memref<1x128xf32, #tpu.memory_space<vmem>> -> memref<128xf32, #tpu.memory_space<vmem>>
    %dma_start3A_66 = arith.constant 0 : i32
    %dma_start3A_67 = tpu.memref_slice %arg10[%dma_start3A_61, %dma_start3A_66] : memref<2x512xi32, #tpu.memory_space<vmem>> -> memref<1x128xi32, #tpu.memory_space<vmem>>
    %dma_start3A_68 = tpu.memref_squeeze %dma_start3A_67 : memref<1x128xi32, #tpu.memory_space<vmem>> -> memref<128xi32, #tpu.memory_space<vmem>>
    %dma_start3A_69 = arith.constant 0 : i32
    %dma_start3A_70 = tpu.memref_slice %arg7[%dma_start3A_69] : memref<100352xf32, #tpu.memory_space<hbm>> -> memref<100352xf32, #tpu.memory_space<hbm>>
    tpu.enqueue_indirect_dma source(%dma_start3A_70 : memref<100352xf32, #tpu.memory_space<hbm>>) target(%dma_start3A_65 : memref<128xf32, #tpu.memory_space<vmem>>) offsets(%dma_start3A_68 : memref<128xi32, #tpu.memory_space<vmem>>) semaphore(%arg13 : memref<!tpu.dma_semaphore, #tpu.memory_space<semaphore_mem>>)
    %dma_start3A_71 = arith.constant 1 : i32
    %dma_start3A_72 = arith.constant 1 : i32
    %dma_start3A_73 = arith.constant 0 : i32
    %dma_start3A_74 = tpu.memref_slice %arg12[%dma_start3A_72, %dma_start3A_73] : memref<4x512xf32, #tpu.memory_space<vmem>> -> memref<1x128xf32, #tpu.memory_space<vmem>>
    %dma_start3A_75 = tpu.memref_squeeze %dma_start3A_74 : memref<1x128xf32, #tpu.memory_space<vmem>> -> memref<128xf32, #tpu.memory_space<vmem>>
    %dma_start3A_76 = arith.constant 0 : i32
    %dma_start3A_77 = tpu.memref_slice %arg10[%dma_start3A_71, %dma_start3A_76] : memref<2x512xi32, #tpu.memory_space<vmem>> -> memref<1x128xi32, #tpu.memory_space<vmem>>
    %dma_start3A_78 = tpu.memref_squeeze %dma_start3A_77 : memref<1x128xi32, #tpu.memory_space<vmem>> -> memref<128xi32, #tpu.memory_space<vmem>>
    %dma_start3A_79 = arith.constant 0 : i32
    %dma_start3A_80 = tpu.memref_slice %arg8[%dma_start3A_79] : memref<100352xf32, #tpu.memory_space<hbm>> -> memref<100352xf32, #tpu.memory_space<hbm>>
    tpu.enqueue_indirect_dma source(%dma_start3A_80 : memref<100352xf32, #tpu.memory_space<hbm>>) target(%dma_start3A_75 : memref<128xf32, #tpu.memory_space<vmem>>) offsets(%dma_start3A_78 : memref<128xi32, #tpu.memory_space<vmem>>) semaphore(%arg13 : memref<!tpu.dma_semaphore, #tpu.memory_space<semaphore_mem>>)
    %add3A_81 = arith.constant 128 : i32
    %add3A_82 = arith.addi %mul3A_2, %add3A_81 : i32
    %dma_start3A_83 = arith.constant 0 : i32
    %dma_start3A_84 = arith.constant 128 : i32
    %dma_start3A_85 = tpu.memref_slice %arg10[%dma_start3A_83, %dma_start3A_84] : memref<2x512xi32, #tpu.memory_space<vmem>> -> memref<1x384xi32, #tpu.memory_space<vmem>>
    %dma_start3A_86 = tpu.memref_squeeze %dma_start3A_85 : memref<1x384xi32, #tpu.memory_space<vmem>> -> memref<384xi32, #tpu.memory_space<vmem>>
    %dma_start3A_87 = tpu.memref_slice %arg2[%add3A_82] : memref<16384xi32, #tpu.memory_space<hbm>> -> memref<384xi32, #tpu.memory_space<hbm>>
    %dma_start3A_88 = arith.constant 128 : i32
    %dma_start3A_89 = tpu.memref_slice %arg10[%dma_start3A_83, %dma_start3A_88] : memref<2x512xi32, #tpu.memory_space<vmem>> -> memref<1x384xi32, #tpu.memory_space<vmem>>
    %dma_start3A_90 = tpu.memref_squeeze %dma_start3A_89 : memref<1x384xi32, #tpu.memory_space<vmem>> -> memref<384xi32, #tpu.memory_space<vmem>>
    %dma_start3A_91 = tpu.memref_slice %arg2[%add3A_82] : memref<16384xi32, #tpu.memory_space<hbm>> -> memref<384xi32, #tpu.memory_space<hbm>>
    tpu.enqueue_dma source(%dma_start3A_91 : memref<384xi32, #tpu.memory_space<hbm>>) target(%dma_start3A_90 : memref<384xi32, #tpu.memory_space<vmem>>) target_semaphore(%arg15 : memref<!tpu.dma_semaphore, #tpu.memory_space<semaphore_mem>>)
    %add3A_92 = arith.constant 128 : i32
    %add3A_93 = arith.addi %mul3A_2, %add3A_92 : i32
    %dma_start3A_94 = arith.constant 1 : i32
    %dma_start3A_95 = arith.constant 128 : i32
    %dma_start3A_96 = tpu.memref_slice %arg10[%dma_start3A_94, %dma_start3A_95] : memref<2x512xi32, #tpu.memory_space<vmem>> -> memref<1x384xi32, #tpu.memory_space<vmem>>
    %dma_start3A_97 = tpu.memref_squeeze %dma_start3A_96 : memref<1x384xi32, #tpu.memory_space<vmem>> -> memref<384xi32, #tpu.memory_space<vmem>>
    %dma_start3A_98 = tpu.memref_slice %arg3[%add3A_93] : memref<16384xi32, #tpu.memory_space<hbm>> -> memref<384xi32, #tpu.memory_space<hbm>>
    %dma_start3A_99 = arith.constant 128 : i32
    %dma_start3A_100 = tpu.memref_slice %arg10[%dma_start3A_94, %dma_start3A_99] : memref<2x512xi32, #tpu.memory_space<vmem>> -> memref<1x384xi32, #tpu.memory_space<vmem>>
    %dma_start3A_101 = tpu.memref_squeeze %dma_start3A_100 : memref<1x384xi32, #tpu.memory_space<vmem>> -> memref<384xi32, #tpu.memory_space<vmem>>
    %dma_start3A_102 = tpu.memref_slice %arg3[%add3A_93] : memref<16384xi32, #tpu.memory_space<hbm>> -> memref<384xi32, #tpu.memory_space<hbm>>
    tpu.enqueue_dma source(%dma_start3A_102 : memref<384xi32, #tpu.memory_space<hbm>>) target(%dma_start3A_101 : memref<384xi32, #tpu.memory_space<vmem>>) target_semaphore(%arg15 : memref<!tpu.dma_semaphore, #tpu.memory_space<semaphore_mem>>)
    %dma_start3A_103 = arith.constant 2 : i32
    %dma_start3A_104 = arith.constant 0 : i32
    %dma_start3A_105 = tpu.memref_slice %arg12[%dma_start3A_103, %dma_start3A_104] : memref<4x512xf32, #tpu.memory_space<vmem>> -> memref<1x512xf32, #tpu.memory_space<vmem>>
    %dma_start3A_106 = tpu.memref_squeeze %dma_start3A_105 : memref<1x512xf32, #tpu.memory_space<vmem>> -> memref<512xf32, #tpu.memory_space<vmem>>
    %dma_start3A_107 = tpu.memref_slice %arg4[%mul3A_2] : memref<16384xf32, #tpu.memory_space<hbm>> -> memref<512xf32, #tpu.memory_space<hbm>>
    %dma_start3A_108 = arith.constant 0 : i32
    %dma_start3A_109 = tpu.memref_slice %arg12[%dma_start3A_103, %dma_start3A_108] : memref<4x512xf32, #tpu.memory_space<vmem>> -> memref<1x512xf32, #tpu.memory_space<vmem>>
    %dma_start3A_110 = tpu.memref_squeeze %dma_start3A_109 : memref<1x512xf32, #tpu.memory_space<vmem>> -> memref<512xf32, #tpu.memory_space<vmem>>
    %dma_start3A_111 = tpu.memref_slice %arg4[%mul3A_2] : memref<16384xf32, #tpu.memory_space<hbm>> -> memref<512xf32, #tpu.memory_space<hbm>>
    tpu.enqueue_dma source(%dma_start3A_111 : memref<512xf32, #tpu.memory_space<hbm>>) target(%dma_start3A_110 : memref<512xf32, #tpu.memory_space<vmem>>) target_semaphore(%arg15 : memref<!tpu.dma_semaphore, #tpu.memory_space<semaphore_mem>>)
    %dma_wait3A_112 = arith.constant 0 : i32
    %dma_wait3A_113 = arith.constant 128 : i32
    %dma_wait3A_114 = tpu.memref_slice %arg10[%dma_wait3A_112, %dma_wait3A_113] : memref<2x512xi32, #tpu.memory_space<vmem>> -> memref<1x384xi32, #tpu.memory_space<vmem>>
    %dma_wait3A_115 = tpu.memref_squeeze %dma_wait3A_114 : memref<1x384xi32, #tpu.memory_space<vmem>> -> memref<384xi32, #tpu.memory_space<vmem>>
    %dma_wait3A_116 = tpu.memref_slice %arg2[%add3A_82] : memref<16384xi32, #tpu.memory_space<hbm>> -> memref<384xi32, #tpu.memory_space<hbm>>
    %dma_wait3A_117 = arith.constant 128 : i32
    %dma_wait3A_118 = tpu.memref_slice %arg10[%dma_wait3A_112, %dma_wait3A_117] : memref<2x512xi32, #tpu.memory_space<vmem>> -> memref<1x384xi32, #tpu.memory_space<vmem>>
    %dma_wait3A_119 = tpu.memref_squeeze %dma_wait3A_118 : memref<1x384xi32, #tpu.memory_space<vmem>> -> memref<384xi32, #tpu.memory_space<vmem>>
    %dma_wait3A_120 = tpu.memref_slice %arg2[%add3A_82] : memref<16384xi32, #tpu.memory_space<hbm>> -> memref<384xi32, #tpu.memory_space<hbm>>
    tpu.wait_dma2 semaphore(%arg15 : memref<!tpu.dma_semaphore, #tpu.memory_space<semaphore_mem>>) src(%dma_wait3A_120 : memref<384xi32, #tpu.memory_space<hbm>>) dst(%dma_wait3A_119 : memref<384xi32, #tpu.memory_space<vmem>>)
    %dma_wait3A_121 = arith.constant 1 : i32
    %dma_wait3A_122 = arith.constant 128 : i32
    %dma_wait3A_123 = tpu.memref_slice %arg10[%dma_wait3A_121, %dma_wait3A_122] : memref<2x512xi32, #tpu.memory_space<vmem>> -> memref<1x384xi32, #tpu.memory_space<vmem>>
    %dma_wait3A_124 = tpu.memref_squeeze %dma_wait3A_123 : memref<1x384xi32, #tpu.memory_space<vmem>> -> memref<384xi32, #tpu.memory_space<vmem>>
    %dma_wait3A_125 = tpu.memref_slice %arg3[%add3A_93] : memref<16384xi32, #tpu.memory_space<hbm>> -> memref<384xi32, #tpu.memory_space<hbm>>
    %dma_wait3A_126 = arith.constant 128 : i32
    %dma_wait3A_127 = tpu.memref_slice %arg10[%dma_wait3A_121, %dma_wait3A_126] : memref<2x512xi32, #tpu.memory_space<vmem>> -> memref<1x384xi32, #tpu.memory_space<vmem>>
    %dma_wait3A_128 = tpu.memref_squeeze %dma_wait3A_127 : memref<1x384xi32, #tpu.memory_space<vmem>> -> memref<384xi32, #tpu.memory_space<vmem>>
    %dma_wait3A_129 = tpu.memref_slice %arg3[%add3A_93] : memref<16384xi32, #tpu.memory_space<hbm>> -> memref<384xi32, #tpu.memory_space<hbm>>
    tpu.wait_dma2 semaphore(%arg15 : memref<!tpu.dma_semaphore, #tpu.memory_space<semaphore_mem>>) src(%dma_wait3A_129 : memref<384xi32, #tpu.memory_space<hbm>>) dst(%dma_wait3A_128 : memref<384xi32, #tpu.memory_space<vmem>>)
    %dma_wait3A_130 = arith.constant 2 : i32
    %dma_wait3A_131 = arith.constant 0 : i32
    %dma_wait3A_132 = tpu.memref_slice %arg12[%dma_wait3A_130, %dma_wait3A_131] : memref<4x512xf32, #tpu.memory_space<vmem>> -> memref<1x512xf32, #tpu.memory_space<vmem>>
    %dma_wait3A_133 = tpu.memref_squeeze %dma_wait3A_132 : memref<1x512xf32, #tpu.memory_space<vmem>> -> memref<512xf32, #tpu.memory_space<vmem>>
    %dma_wait3A_134 = tpu.memref_slice %arg4[%mul3A_2] : memref<16384xf32, #tpu.memory_space<hbm>> -> memref<512xf32, #tpu.memory_space<hbm>>
    %dma_wait3A_135 = arith.constant 0 : i32
    %dma_wait3A_136 = tpu.memref_slice %arg12[%dma_wait3A_130, %dma_wait3A_135] : memref<4x512xf32, #tpu.memory_space<vmem>> -> memref<1x512xf32, #tpu.memory_space<vmem>>
    %dma_wait3A_137 = tpu.memref_squeeze %dma_wait3A_136 : memref<1x512xf32, #tpu.memory_space<vmem>> -> memref<512xf32, #tpu.memory_space<vmem>>
    %dma_wait3A_138 = tpu.memref_slice %arg4[%mul3A_2] : memref<16384xf32, #tpu.memory_space<hbm>> -> memref<512xf32, #tpu.memory_space<hbm>>
    tpu.wait_dma2 semaphore(%arg15 : memref<!tpu.dma_semaphore, #tpu.memory_space<semaphore_mem>>) src(%dma_wait3A_138 : memref<512xf32, #tpu.memory_space<hbm>>) dst(%dma_wait3A_137 : memref<512xf32, #tpu.memory_space<vmem>>)
    %dma_start3A_139 = arith.constant 0 : i32
    %dma_start3A_140 = arith.constant 2 : i32
    %dma_start3A_141 = arith.constant 0 : i32
    %dma_start3A_142 = arith.constant 0 : i32
    %dma_start3A_143 = tpu.memref_slice %arg11[%dma_start3A_140, %dma_start3A_141, %dma_start3A_142] : memref<4x128x128xf32, #tpu.memory_space<vmem>> -> memref<1x128x128xf32, #tpu.memory_space<vmem>>
    %dma_start3A_144 = tpu.memref_squeeze %dma_start3A_143 : memref<1x128x128xf32, #tpu.memory_space<vmem>> -> memref<128x128xf32, #tpu.memory_space<vmem>>
    %dma_start3A_145 = arith.constant 128 : i32
    %dma_start3A_146 = tpu.memref_slice %arg10[%dma_start3A_139, %dma_start3A_145] : memref<2x512xi32, #tpu.memory_space<vmem>> -> memref<1x128xi32, #tpu.memory_space<vmem>>
    %dma_start3A_147 = tpu.memref_squeeze %dma_start3A_146 : memref<1x128xi32, #tpu.memory_space<vmem>> -> memref<128xi32, #tpu.memory_space<vmem>>
    %dma_start3A_148 = arith.constant 0 : i32
    %dma_start3A_149 = arith.constant 0 : i32
    %dma_start3A_150 = tpu.memref_slice %arg5[%dma_start3A_148, %dma_start3A_149] : memref<100000x128xf32, #tpu.memory_space<hbm>> -> memref<100000x128xf32, #tpu.memory_space<hbm>>
    tpu.enqueue_indirect_dma source(%dma_start3A_150 : memref<100000x128xf32, #tpu.memory_space<hbm>>) target(%dma_start3A_144 : memref<128x128xf32, #tpu.memory_space<vmem>>) offsets(%dma_start3A_147 : memref<128xi32, #tpu.memory_space<vmem>>) semaphore(%arg14 : memref<!tpu.dma_semaphore, #tpu.memory_space<semaphore_mem>>)
    %dma_start3A_151 = arith.constant 1 : i32
    %dma_start3A_152 = arith.constant 3 : i32
    %dma_start3A_153 = arith.constant 0 : i32
    %dma_start3A_154 = arith.constant 0 : i32
    %dma_start3A_155 = tpu.memref_slice %arg11[%dma_start3A_152, %dma_start3A_153, %dma_start3A_154] : memref<4x128x128xf32, #tpu.memory_space<vmem>> -> memref<1x128x128xf32, #tpu.memory_space<vmem>>
    %dma_start3A_156 = tpu.memref_squeeze %dma_start3A_155 : memref<1x128x128xf32, #tpu.memory_space<vmem>> -> memref<128x128xf32, #tpu.memory_space<vmem>>
    %dma_start3A_157 = arith.constant 128 : i32
    %dma_start3A_158 = tpu.memref_slice %arg10[%dma_start3A_151, %dma_start3A_157] : memref<2x512xi32, #tpu.memory_space<vmem>> -> memref<1x128xi32, #tpu.memory_space<vmem>>
    %dma_start3A_159 = tpu.memref_squeeze %dma_start3A_158 : memref<1x128xi32, #tpu.memory_space<vmem>> -> memref<128xi32, #tpu.memory_space<vmem>>
    %dma_start3A_160 = arith.constant 0 : i32
    %dma_start3A_161 = arith.constant 0 : i32
    %dma_start3A_162 = tpu.memref_slice %arg6[%dma_start3A_160, %dma_start3A_161] : memref<100000x128xf32, #tpu.memory_space<hbm>> -> memref<100000x128xf32, #tpu.memory_space<hbm>>
    tpu.enqueue_indirect_dma source(%dma_start3A_162 : memref<100000x128xf32, #tpu.memory_space<hbm>>) target(%dma_start3A_156 : memref<128x128xf32, #tpu.memory_space<vmem>>) offsets(%dma_start3A_159 : memref<128xi32, #tpu.memory_space<vmem>>) semaphore(%arg14 : memref<!tpu.dma_semaphore, #tpu.memory_space<semaphore_mem>>)
    %dma_start3A_163 = arith.constant 0 : i32
    %dma_start3A_164 = arith.constant 0 : i32
    %dma_start3A_165 = arith.constant 128 : i32
    %dma_start3A_166 = tpu.memref_slice %arg12[%dma_start3A_164, %dma_start3A_165] : memref<4x512xf32, #tpu.memory_space<vmem>> -> memref<1x128xf32, #tpu.memory_space<vmem>>
    %dma_start3A_167 = tpu.memref_squeeze %dma_start3A_166 : memref<1x128xf32, #tpu.memory_space<vmem>> -> memref<128xf32, #tpu.memory_space<vmem>>
    %dma_start3A_168 = arith.constant 128 : i32
    %dma_start3A_169 = tpu.memref_slice %arg10[%dma_start3A_163, %dma_start3A_168] : memref<2x512xi32, #tpu.memory_space<vmem>> -> memref<1x128xi32, #tpu.memory_space<vmem>>
    %dma_start3A_170 = tpu.memref_squeeze %dma_start3A_169 : memref<1x128xi32, #tpu.memory_space<vmem>> -> memref<128xi32, #tpu.memory_space<vmem>>
    %dma_start3A_171 = arith.constant 0 : i32
    %dma_start3A_172 = tpu.memref_slice %arg7[%dma_start3A_171] : memref<100352xf32, #tpu.memory_space<hbm>> -> memref<100352xf32, #tpu.memory_space<hbm>>
    tpu.enqueue_indirect_dma source(%dma_start3A_172 : memref<100352xf32, #tpu.memory_space<hbm>>) target(%dma_start3A_167 : memref<128xf32, #tpu.memory_space<vmem>>) offsets(%dma_start3A_170 : memref<128xi32, #tpu.memory_space<vmem>>) semaphore(%arg14 : memref<!tpu.dma_semaphore, #tpu.memory_space<semaphore_mem>>)
    %dma_start3A_173 = arith.constant 1 : i32
    %dma_start3A_174 = arith.constant 1 : i32
    %dma_start3A_175 = arith.constant 128 : i32
    %dma_start3A_176 = tpu.memref_slice %arg12[%dma_start3A_174, %dma_start3A_175] : memref<4x512xf32, #tpu.memory_space<vmem>> -> memref<1x128xf32, #tpu.memory_space<vmem>>
    %dma_start3A_177 = tpu.memref_squeeze %dma_start3A_176 : memref<1x128xf32, #tpu.memory_space<vmem>> -> memref<128xf32, #tpu.memory_space<vmem>>
    %dma_start3A_178 = arith.constant 128 : i32
    %dma_start3A_179 = tpu.memref_slice %arg10[%dma_start3A_173, %dma_start3A_178] : memref<2x512xi32, #tpu.memory_space<vmem>> -> memref<1x128xi32, #tpu.memory_space<vmem>>
    %dma_start3A_180 = tpu.memref_squeeze %dma_start3A_179 : memref<1x128xi32, #tpu.memory_space<vmem>> -> memref<128xi32, #tpu.memory_space<vmem>>
    %dma_start3A_181 = arith.constant 0 : i32
    %dma_start3A_182 = tpu.memref_slice %arg8[%dma_start3A_181] : memref<100352xf32, #tpu.memory_space<hbm>> -> memref<100352xf32, #tpu.memory_space<hbm>>
    tpu.enqueue_indirect_dma source(%dma_start3A_182 : memref<100352xf32, #tpu.memory_space<hbm>>) target(%dma_start3A_177 : memref<128xf32, #tpu.memory_space<vmem>>) offsets(%dma_start3A_180 : memref<128xi32, #tpu.memory_space<vmem>>) semaphore(%arg14 : memref<!tpu.dma_semaphore, #tpu.memory_space<semaphore_mem>>)
    %iota3A = tpu.iota {dimensions = array<i32: 0>} : vector<16xi32>
    %broadcast_in_dim3A = arith.constant 0 : i32
    %broadcast_in_dim3A_183 = vector.broadcast %broadcast_in_dim3A : i32 to vector<16xi32>
    %broadcast_in_dim3A_184 = arith.constant 1 : i32
    %broadcast_in_dim3A_185 = vector.broadcast %broadcast_in_dim3A_184 : i32 to vector<16xi32>
    %broadcast_in_dim3A_186 = arith.constant 2 : i32
    %broadcast_in_dim3A_187 = vector.broadcast %broadcast_in_dim3A_186 : i32 to vector<16xi32>
    %broadcast_in_dim3A_188 = arith.constant 3 : i32
    %broadcast_in_dim3A_189 = vector.broadcast %broadcast_in_dim3A_188 : i32 to vector<16xi32>
    %scan3A = arith.constant 0 : i32
    %scan3A_190 = arith.constant 2 : i32
    %scan3A_191 = arith.addi %scan3A, %scan3A_190 : i32
    %scan3A_192 = arith.constant 1 : i32
    scf.for %scan3A_238 = %scan3A to %scan3A_191 step %scan3A_192  : i32 {
      %mul3A_239 = arith.constant 2 : i32
      %mul3A_240 = arith.muli %scan3A_238, %mul3A_239 : i32
      %add3A_241 = arith.constant 0 : i32
      %add3A_242 = arith.addi %add3A_241, %mul3A_240 : i32
      %add3A_243 = arith.constant 0 : i32
      %add3A_244 = arith.addi %add3A_242, %add3A_243 : i32
      %mul3A_245 = arith.constant 128 : i32
      %mul3A_246 = arith.muli %add3A_244, %mul3A_245 : i32
      %dma_wait3A_247 = arith.constant 0 : i32
      %dma_wait3A_248 = arith.constant 0 : i32
      %dma_wait3A_249 = arith.constant 0 : i32
      %dma_wait3A_250 = arith.constant 0 : i32
      %dma_wait3A_251 = tpu.memref_slice %arg11[%dma_wait3A_248, %dma_wait3A_249, %dma_wait3A_250] : memref<4x128x128xf32, #tpu.memory_space<vmem>> -> memref<1x128x128xf32, #tpu.memory_space<vmem>>
      %dma_wait3A_252 = tpu.memref_squeeze %dma_wait3A_251 : memref<1x128x128xf32, #tpu.memory_space<vmem>> -> memref<128x128xf32, #tpu.memory_space<vmem>>
      %dma_wait3A_253 = tpu.memref_slice %arg10[%dma_wait3A_247, %mul3A_246] : memref<2x512xi32, #tpu.memory_space<vmem>> -> memref<1x128xi32, #tpu.memory_space<vmem>>
      %dma_wait3A_254 = tpu.memref_squeeze %dma_wait3A_253 : memref<1x128xi32, #tpu.memory_space<vmem>> -> memref<128xi32, #tpu.memory_space<vmem>>
      %dma_wait3A_255 = arith.constant 0 : i32
      %dma_wait3A_256 = arith.constant 0 : i32
      %dma_wait3A_257 = tpu.memref_slice %arg5[%dma_wait3A_255, %dma_wait3A_256] : memref<100000x128xf32, #tpu.memory_space<hbm>> -> memref<100000x128xf32, #tpu.memory_space<hbm>>
      tpu.wait_indirect_dma semaphore(%arg13 : memref<!tpu.dma_semaphore, #tpu.memory_space<semaphore_mem>>) src(%dma_wait3A_257 : memref<100000x128xf32, #tpu.memory_space<hbm>>) dst(%dma_wait3A_252 : memref<128x128xf32, #tpu.memory_space<vmem>>)
      %dma_wait3A_258 = arith.constant 1 : i32
      %dma_wait3A_259 = arith.constant 1 : i32
      %dma_wait3A_260 = arith.constant 0 : i32
      %dma_wait3A_261 = arith.constant 0 : i32
      %dma_wait3A_262 = tpu.memref_slice %arg11[%dma_wait3A_259, %dma_wait3A_260, %dma_wait3A_261] : memref<4x128x128xf32, #tpu.memory_space<vmem>> -> memref<1x128x128xf32, #tpu.memory_space<vmem>>
      %dma_wait3A_263 = tpu.memref_squeeze %dma_wait3A_262 : memref<1x128x128xf32, #tpu.memory_space<vmem>> -> memref<128x128xf32, #tpu.memory_space<vmem>>
      %dma_wait3A_264 = tpu.memref_slice %arg10[%dma_wait3A_258, %mul3A_246] : memref<2x512xi32, #tpu.memory_space<vmem>> -> memref<1x128xi32, #tpu.memory_space<vmem>>
      %dma_wait3A_265 = tpu.memref_squeeze %dma_wait3A_264 : memref<1x128xi32, #tpu.memory_space<vmem>> -> memref<128xi32, #tpu.memory_space<vmem>>
      %dma_wait3A_266 = arith.constant 0 : i32
      %dma_wait3A_267 = arith.constant 0 : i32
      %dma_wait3A_268 = tpu.memref_slice %arg6[%dma_wait3A_266, %dma_wait3A_267] : memref<100000x128xf32, #tpu.memory_space<hbm>> -> memref<100000x128xf32, #tpu.memory_space<hbm>>
      tpu.wait_indirect_dma semaphore(%arg13 : memref<!tpu.dma_semaphore, #tpu.memory_space<semaphore_mem>>) src(%dma_wait3A_268 : memref<100000x128xf32, #tpu.memory_space<hbm>>) dst(%dma_wait3A_263 : memref<128x128xf32, #tpu.memory_space<vmem>>)
      %dma_wait3A_269 = arith.constant 0 : i32
      %dma_wait3A_270 = arith.constant 0 : i32
      %dma_wait3A_271 = tpu.memref_slice %arg12[%dma_wait3A_270, %mul3A_246] : memref<4x512xf32, #tpu.memory_space<vmem>> -> memref<1x128xf32, #tpu.memory_space<vmem>>
      %dma_wait3A_272 = tpu.memref_squeeze %dma_wait3A_271 : memref<1x128xf32, #tpu.memory_space<vmem>> -> memref<128xf32, #tpu.memory_space<vmem>>
      %dma_wait3A_273 = tpu.memref_slice %arg10[%dma_wait3A_269, %mul3A_246] : memref<2x512xi32, #tpu.memory_space<vmem>> -> memref<1x128xi32, #tpu.memory_space<vmem>>
      %dma_wait3A_274 = tpu.memref_squeeze %dma_wait3A_273 : memref<1x128xi32, #tpu.memory_space<vmem>> -> memref<128xi32, #tpu.memory_space<vmem>>
      %dma_wait3A_275 = arith.constant 0 : i32
      %dma_wait3A_276 = tpu.memref_slice %arg7[%dma_wait3A_275] : memref<100352xf32, #tpu.memory_space<hbm>> -> memref<100352xf32, #tpu.memory_space<hbm>>
      tpu.wait_indirect_dma semaphore(%arg13 : memref<!tpu.dma_semaphore, #tpu.memory_space<semaphore_mem>>) src(%dma_wait3A_276 : memref<100352xf32, #tpu.memory_space<hbm>>) dst(%dma_wait3A_272 : memref<128xf32, #tpu.memory_space<vmem>>)
      %dma_wait3A_277 = arith.constant 1 : i32
      %dma_wait3A_278 = arith.constant 1 : i32
      %dma_wait3A_279 = tpu.memref_slice %arg12[%dma_wait3A_278, %mul3A_246] : memref<4x512xf32, #tpu.memory_space<vmem>> -> memref<1x128xf32, #tpu.memory_space<vmem>>
      %dma_wait3A_280 = tpu.memref_squeeze %dma_wait3A_279 : memref<1x128xf32, #tpu.memory_space<vmem>> -> memref<128xf32, #tpu.memory_space<vmem>>
      %dma_wait3A_281 = tpu.memref_slice %arg10[%dma_wait3A_277, %mul3A_246] : memref<2x512xi32, #tpu.memory_space<vmem>> -> memref<1x128xi32, #tpu.memory_space<vmem>>
      %dma_wait3A_282 = tpu.memref_squeeze %dma_wait3A_281 : memref<1x128xi32, #tpu.memory_space<vmem>> -> memref<128xi32, #tpu.memory_space<vmem>>
      %dma_wait3A_283 = arith.constant 0 : i32
      %dma_wait3A_284 = tpu.memref_slice %arg8[%dma_wait3A_283] : memref<100352xf32, #tpu.memory_space<hbm>> -> memref<100352xf32, #tpu.memory_space<hbm>>
      tpu.wait_indirect_dma semaphore(%arg13 : memref<!tpu.dma_semaphore, #tpu.memory_space<semaphore_mem>>) src(%dma_wait3A_284 : memref<100352xf32, #tpu.memory_space<hbm>>) dst(%dma_wait3A_280 : memref<128xf32, #tpu.memory_space<vmem>>)
      %scan3A_285 = arith.constant 0 : i32
      %scan3A_286 = arith.constant 1 : i32
      %scan3A_287 = arith.constant 0 : i32
      %scan3A_288 = arith.constant 8 : i32
      %scan3A_289 = arith.addi %scan3A_287, %scan3A_288 : i32
      %scan3A_290 = arith.constant 1 : i32
      scf.for %scan3A_376 = %scan3A_287 to %scan3A_289 step %scan3A_290  : i32 {
        %mul3A_377 = arith.constant 1 : i32
        %mul3A_378 = arith.muli %scan3A_376, %mul3A_377 : i32
        %add3A_379 = arith.constant 0 : i32
        %add3A_380 = arith.addi %add3A_379, %mul3A_378 : i32
        %mul3A_381 = arith.constant 16 : i32
        %mul3A_382 = arith.muli %add3A_380, %mul3A_381 : i32
        %add3A_383 = vector.broadcast %mul3A_382 : i32 to vector<16xi32>
        %add3A_384 = arith.addi %iota3A, %add3A_383 : vector<16xi32>
        %broadcast_in_dim3A_385 = arith.constant 0.000000e+00 : f32
        %broadcast_in_dim3A_386 = vector.broadcast %broadcast_in_dim3A_385 : f32 to vector<16xf32>
        %scan3A_387 = arith.constant 0 : i32
        %scan3A_388 = arith.constant 8 : i32
        %scan3A_389 = arith.addi %scan3A_387, %scan3A_388 : i32
        %scan3A_390 = arith.constant 1 : i32
        %scan3A_391:2 = scf.for %scan3A_403 = %scan3A_387 to %scan3A_389 step %scan3A_390 iter_args(%scan3A_404 = %broadcast_in_dim3A_386, %scan3A_405 = %broadcast_in_dim3A_386) -> (vector<16xf32>, vector<16xf32>)  : i32 {
          %mul3A_406 = arith.constant 16 : i32
          %mul3A_407 = arith.muli %scan3A_403, %mul3A_406 : i32
          %add3A_408 = arith.constant 0 : i32
          %add3A_409 = arith.addi %mul3A_407, %add3A_408 : i32
          %add3A_410 = vector.broadcast %add3A_409 : i32 to vector<16xi32>
          %add3A_411 = arith.addi %iota3A, %add3A_410 : vector<16xi32>
          %and3A = arith.constant 127 : i32
          %and3A_412 = vector.broadcast %and3A : i32 to vector<16xi32>
          %and3A_413 = arith.andi %add3A_411, %and3A_412 : vector<16xi32>
          %gather3A_414 = arith.constant 0 : i32
          %gather3A_415 = arith.constant 0 : i32
          %gather3A_416 = tpu.memref_slice %arg11[%scan3A_285, %gather3A_414, %gather3A_415] : memref<4x128x128xf32, #tpu.memory_space<vmem>> -> memref<1x128x128xf32, #tpu.memory_space<vmem>>
          %gather3A_417 = tpu.memref_squeeze %gather3A_416 : memref<1x128x128xf32, #tpu.memory_space<vmem>> -> memref<128x128xf32, #tpu.memory_space<vmem>>
          %gather3A_418 = tpu.vector_load_idx %gather3A_417[%add3A_384, %and3A_413] : memref<128x128xf32, #tpu.memory_space<vmem>>[vector<16xi32>, vector<16xi32>], vector<16xf32>,
          %gather3A_419 = arith.constant 0 : i32
          %gather3A_420 = arith.constant 0 : i32
          %gather3A_421 = tpu.memref_slice %arg11[%scan3A_286, %gather3A_419, %gather3A_420] : memref<4x128x128xf32, #tpu.memory_space<vmem>> -> memref<1x128x128xf32, #tpu.memory_space<vmem>>
          %gather3A_422 = tpu.memref_squeeze %gather3A_421 : memref<1x128x128xf32, #tpu.memory_space<vmem>> -> memref<128x128xf32, #tpu.memory_space<vmem>>
          %gather3A_423 = tpu.vector_load_idx %gather3A_422[%add3A_384, %and3A_413] : memref<128x128xf32, #tpu.memory_space<vmem>>[vector<16xi32>, vector<16xi32>], vector<16xf32>,
          %mul3A_424 = arith.mulf %gather3A_418, %gather3A_423 : vector<16xf32>
          %add3A_425 = arith.addf %scan3A_404, %mul3A_424 : vector<16xf32>
          %add3A_426 = arith.constant 1 : i32
          %add3A_427 = arith.addi %mul3A_407, %add3A_426 : i32
          %add3A_428 = vector.broadcast %add3A_427 : i32 to vector<16xi32>
          %add3A_429 = arith.addi %iota3A, %add3A_428 : vector<16xi32>
          %and3A_430 = arith.constant 127 : i32
          %and3A_431 = vector.broadcast %and3A_430 : i32 to vector<16xi32>
          %and3A_432 = arith.andi %add3A_429, %and3A_431 : vector<16xi32>
          %gather3A_433 = arith.constant 0 : i32
          %gather3A_434 = arith.constant 0 : i32
          %gather3A_435 = tpu.memref_slice %arg11[%scan3A_285, %gather3A_433, %gather3A_434] : memref<4x128x128xf32, #tpu.memory_space<vmem>> -> memref<1x128x128xf32, #tpu.memory_space<vmem>>
          %gather3A_436 = tpu.memref_squeeze %gather3A_435 : memref<1x128x128xf32, #tpu.memory_space<vmem>> -> memref<128x128xf32, #tpu.memory_space<vmem>>
          %gather3A_437 = tpu.vector_load_idx %gather3A_436[%add3A_384, %and3A_432] : memref<128x128xf32, #tpu.memory_space<vmem>>[vector<16xi32>, vector<16xi32>], vector<16xf32>,
          %gather3A_438 = arith.constant 0 : i32
          %gather3A_439 = arith.constant 0 : i32
          %gather3A_440 = tpu.memref_slice %arg11[%scan3A_286, %gather3A_438, %gather3A_439] : memref<4x128x128xf32, #tpu.memory_space<vmem>> -> memref<1x128x128xf32, #tpu.memory_space<vmem>>
          %gather3A_441 = tpu.memref_squeeze %gather3A_440 : memref<1x128x128xf32, #tpu.memory_space<vmem>> -> memref<128x128xf32, #tpu.memory_space<vmem>>
          %gather3A_442 = tpu.vector_load_idx %gather3A_441[%add3A_384, %and3A_432] : memref<128x128xf32, #tpu.memory_space<vmem>>[vector<16xi32>, vector<16xi32>], vector<16xf32>,
          %mul3A_443 = arith.mulf %gather3A_437, %gather3A_442 : vector<16xf32>
          %add3A_444 = arith.addf %scan3A_405, %mul3A_443 : vector<16xf32>
          %add3A_445 = arith.constant 2 : i32
          %add3A_446 = arith.addi %mul3A_407, %add3A_445 : i32
          %add3A_447 = vector.broadcast %add3A_446 : i32 to vector<16xi32>
          %add3A_448 = arith.addi %iota3A, %add3A_447 : vector<16xi32>
          %and3A_449 = arith.constant 127 : i32
          %and3A_450 = vector.broadcast %and3A_449 : i32 to vector<16xi32>
          %and3A_451 = arith.andi %add3A_448, %and3A_450 : vector<16xi32>
          %gather3A_452 = arith.constant 0 : i32
          %gather3A_453 = arith.constant 0 : i32
          %gather3A_454 = tpu.memref_slice %arg11[%scan3A_285, %gather3A_452, %gather3A_453] : memref<4x128x128xf32, #tpu.memory_space<vmem>> -> memref<1x128x128xf32, #tpu.memory_space<vmem>>
          %gather3A_455 = tpu.memref_squeeze %gather3A_454 : memref<1x128x128xf32, #tpu.memory_space<vmem>> -> memref<128x128xf32, #tpu.memory_space<vmem>>
          %gather3A_456 = tpu.vector_load_idx %gather3A_455[%add3A_384, %and3A_451] : memref<128x128xf32, #tpu.memory_space<vmem>>[vector<16xi32>, vector<16xi32>], vector<16xf32>,
          %gather3A_457 = arith.constant 0 : i32
          %gather3A_458 = arith.constant 0 : i32
          %gather3A_459 = tpu.memref_slice %arg11[%scan3A_286, %gather3A_457, %gather3A_458] : memref<4x128x128xf32, #tpu.memory_space<vmem>> -> memref<1x128x128xf32, #tpu.memory_space<vmem>>
          %gather3A_460 = tpu.memref_squeeze %gather3A_459 : memref<1x128x128xf32, #tpu.memory_space<vmem>> -> memref<128x128xf32, #tpu.memory_space<vmem>>
          %gather3A_461 = tpu.vector_load_idx %gather3A_460[%add3A_384, %and3A_451] : memref<128x128xf32, #tpu.memory_space<vmem>>[vector<16xi32>, vector<16xi32>], vector<16xf32>,
          %mul3A_462 = arith.mulf %gather3A_456, %gather3A_461 : vector<16xf32>
          %add3A_463 = arith.addf %add3A_425, %mul3A_462 : vector<16xf32>
          %add3A_464 = arith.constant 3 : i32
          %add3A_465 = arith.addi %mul3A_407, %add3A_464 : i32
          %add3A_466 = vector.broadcast %add3A_465 : i32 to vector<16xi32>
          %add3A_467 = arith.addi %iota3A, %add3A_466 : vector<16xi32>
          %and3A_468 = arith.constant 127 : i32
          %and3A_469 = vector.broadcast %and3A_468 : i32 to vector<16xi32>
          %and3A_470 = arith.andi %add3A_467, %and3A_469 : vector<16xi32>
          %gather3A_471 = arith.constant 0 : i32
          %gather3A_472 = arith.constant 0 : i32
          %gather3A_473 = tpu.memref_slice %arg11[%scan3A_285, %gather3A_471, %gather3A_472] : memref<4x128x128xf32, #tpu.memory_space<vmem>> -> memref<1x128x128xf32, #tpu.memory_space<vmem>>
          %gather3A_474 = tpu.memref_squeeze %gather3A_473 : memref<1x128x128xf32, #tpu.memory_space<vmem>> -> memref<128x128xf32, #tpu.memory_space<vmem>>
          %gather3A_475 = tpu.vector_load_idx %gather3A_474[%add3A_384, %and3A_470] : memref<128x128xf32, #tpu.memory_space<vmem>>[vector<16xi32>, vector<16xi32>], vector<16xf32>,
          %gather3A_476 = arith.constant 0 : i32
          %gather3A_477 = arith.constant 0 : i32
          %gather3A_478 = tpu.memref_slice %arg11[%scan3A_286, %gather3A_476, %gather3A_477] : memref<4x128x128xf32, #tpu.memory_space<vmem>> -> memref<1x128x128xf32, #tpu.memory_space<vmem>>
          %gather3A_479 = tpu.memref_squeeze %gather3A_478 : memref<1x128x128xf32, #tpu.memory_space<vmem>> -> memref<128x128xf32, #tpu.memory_space<vmem>>
          %gather3A_480 = tpu.vector_load_idx %gather3A_479[%add3A_384, %and3A_470] : memref<128x128xf32, #tpu.memory_space<vmem>>[vector<16xi32>, vector<16xi32>], vector<16xf32>,
          %mul3A_481 = arith.mulf %gather3A_475, %gather3A_480 : vector<16xf32>
          %add3A_482 = arith.addf %add3A_444, %mul3A_481 : vector<16xf32>
          %add3A_483 = arith.constant 4 : i32
          %add3A_484 = arith.addi %mul3A_407, %add3A_483 : i32
          %add3A_485 = vector.broadcast %add3A_484 : i32 to vector<16xi32>
          %add3A_486 = arith.addi %iota3A, %add3A_485 : vector<16xi32>
          %and3A_487 = arith.constant 127 : i32
          %and3A_488 = vector.broadcast %and3A_487 : i32 to vector<16xi32>
          %and3A_489 = arith.andi %add3A_486, %and3A_488 : vector<16xi32>
          %gather3A_490 = arith.constant 0 : i32
          %gather3A_491 = arith.constant 0 : i32
          %gather3A_492 = tpu.memref_slice %arg11[%scan3A_285, %gather3A_490, %gather3A_491] : memref<4x128x128xf32, #tpu.memory_space<vmem>> -> memref<1x128x128xf32, #tpu.memory_space<vmem>>
          %gather3A_493 = tpu.memref_squeeze %gather3A_492 : memref<1x128x128xf32, #tpu.memory_space<vmem>> -> memref<128x128xf32, #tpu.memory_space<vmem>>
          %gather3A_494 = tpu.vector_load_idx %gather3A_493[%add3A_384, %and3A_489] : memref<128x128xf32, #tpu.memory_space<vmem>>[vector<16xi32>, vector<16xi32>], vector<16xf32>,
          %gather3A_495 = arith.constant 0 : i32
          %gather3A_496 = arith.constant 0 : i32
          %gather3A_497 = tpu.memref_slice %arg11[%scan3A_286, %gather3A_495, %gather3A_496] : memref<4x128x128xf32, #tpu.memory_space<vmem>> -> memref<1x128x128xf32, #tpu.memory_space<vmem>>
          %gather3A_498 = tpu.memref_squeeze %gather3A_497 : memref<1x128x128xf32, #tpu.memory_space<vmem>> -> memref<128x128xf32, #tpu.memory_space<vmem>>
          %gather3A_499 = tpu.vector_load_idx %gather3A_498[%add3A_384, %and3A_489] : memref<128x128xf32, #tpu.memory_space<vmem>>[vector<16xi32>, vector<16xi32>], vector<16xf32>,
          %mul3A_500 = arith.mulf %gather3A_494, %gather3A_499 : vector<16xf32>
          %add3A_501 = arith.addf %add3A_463, %mul3A_500 : vector<16xf32>
          %add3A_502 = arith.constant 5 : i32
          %add3A_503 = arith.addi %mul3A_407, %add3A_502 : i32
          %add3A_504 = vector.broadcast %add3A_503 : i32 to vector<16xi32>
          %add3A_505 = arith.addi %iota3A, %add3A_504 : vector<16xi32>
          %and3A_506 = arith.constant 127 : i32
          %and3A_507 = vector.broadcast %and3A_506 : i32 to vector<16xi32>
          %and3A_508 = arith.andi %add3A_505, %and3A_507 : vector<16xi32>
          %gather3A_509 = arith.constant 0 : i32
          %gather3A_510 = arith.constant 0 : i32
          %gather3A_511 = tpu.memref_slice %arg11[%scan3A_285, %gather3A_509, %gather3A_510] : memref<4x128x128xf32, #tpu.memory_space<vmem>> -> memref<1x128x128xf32, #tpu.memory_space<vmem>>
          %gather3A_512 = tpu.memref_squeeze %gather3A_511 : memref<1x128x128xf32, #tpu.memory_space<vmem>> -> memref<128x128xf32, #tpu.memory_space<vmem>>
          %gather3A_513 = tpu.vector_load_idx %gather3A_512[%add3A_384, %and3A_508] : memref<128x128xf32, #tpu.memory_space<vmem>>[vector<16xi32>, vector<16xi32>], vector<16xf32>,
          %gather3A_514 = arith.constant 0 : i32
          %gather3A_515 = arith.constant 0 : i32
          %gather3A_516 = tpu.memref_slice %arg11[%scan3A_286, %gather3A_514, %gather3A_515] : memref<4x128x128xf32, #tpu.memory_space<vmem>> -> memref<1x128x128xf32, #tpu.memory_space<vmem>>
          %gather3A_517 = tpu.memref_squeeze %gather3A_516 : memref<1x128x128xf32, #tpu.memory_space<vmem>> -> memref<128x128xf32, #tpu.memory_space<vmem>>
          %gather3A_518 = tpu.vector_load_idx %gather3A_517[%add3A_384, %and3A_508] : memref<128x128xf32, #tpu.memory_space<vmem>>[vector<16xi32>, vector<16xi32>], vector<16xf32>,
          %mul3A_519 = arith.mulf %gather3A_513, %gather3A_518 : vector<16xf32>
          %add3A_520 = arith.addf %add3A_482, %mul3A_519 : vector<16xf32>
          %add3A_521 = arith.constant 6 : i32
          %add3A_522 = arith.addi %mul3A_407, %add3A_521 : i32
          %add3A_523 = vector.broadcast %add3A_522 : i32 to vector<16xi32>
          %add3A_524 = arith.addi %iota3A, %add3A_523 : vector<16xi32>
          %and3A_525 = arith.constant 127 : i32
          %and3A_526 = vector.broadcast %and3A_525 : i32 to vector<16xi32>
          %and3A_527 = arith.andi %add3A_524, %and3A_526 : vector<16xi32>
          %gather3A_528 = arith.constant 0 : i32
          %gather3A_529 = arith.constant 0 : i32
          %gather3A_530 = tpu.memref_slice %arg11[%scan3A_285, %gather3A_528, %gather3A_529] : memref<4x128x128xf32, #tpu.memory_space<vmem>> -> memref<1x128x128xf32, #tpu.memory_space<vmem>>
          %gather3A_531 = tpu.memref_squeeze %gather3A_530 : memref<1x128x128xf32, #tpu.memory_space<vmem>> -> memref<128x128xf32, #tpu.memory_space<vmem>>
          %gather3A_532 = tpu.vector_load_idx %gather3A_531[%add3A_384, %and3A_527] : memref<128x128xf32, #tpu.memory_space<vmem>>[vector<16xi32>, vector<16xi32>], vector<16xf32>,
          %gather3A_533 = arith.constant 0 : i32
          %gather3A_534 = arith.constant 0 : i32
          %gather3A_535 = tpu.memref_slice %arg11[%scan3A_286, %gather3A_533, %gather3A_534] : memref<4x128x128xf32, #tpu.memory_space<vmem>> -> memref<1x128x128xf32, #tpu.memory_space<vmem>>
          %gather3A_536 = tpu.memref_squeeze %gather3A_535 : memref<1x128x128xf32, #tpu.memory_space<vmem>> -> memref<128x128xf32, #tpu.memory_space<vmem>>
          %gather3A_537 = tpu.vector_load_idx %gather3A_536[%add3A_384, %and3A_527] : memref<128x128xf32, #tpu.memory_space<vmem>>[vector<16xi32>, vector<16xi32>], vector<16xf32>,
          %mul3A_538 = arith.mulf %gather3A_532, %gather3A_537 : vector<16xf32>
          %add3A_539 = arith.addf %add3A_501, %mul3A_538 : vector<16xf32>
          %add3A_540 = arith.constant 7 : i32
          %add3A_541 = arith.addi %mul3A_407, %add3A_540 : i32
          %add3A_542 = vector.broadcast %add3A_541 : i32 to vector<16xi32>
          %add3A_543 = arith.addi %iota3A, %add3A_542 : vector<16xi32>
          %and3A_544 = arith.constant 127 : i32
          %and3A_545 = vector.broadcast %and3A_544 : i32 to vector<16xi32>
          %and3A_546 = arith.andi %add3A_543, %and3A_545 : vector<16xi32>
          %gather3A_547 = arith.constant 0 : i32
          %gather3A_548 = arith.constant 0 : i32
          %gather3A_549 = tpu.memref_slice %arg11[%scan3A_285, %gather3A_547, %gather3A_548] : memref<4x128x128xf32, #tpu.memory_space<vmem>> -> memref<1x128x128xf32, #tpu.memory_space<vmem>>
          %gather3A_550 = tpu.memref_squeeze %gather3A_549 : memref<1x128x128xf32, #tpu.memory_space<vmem>> -> memref<128x128xf32, #tpu.memory_space<vmem>>
          %gather3A_551 = tpu.vector_load_idx %gather3A_550[%add3A_384, %and3A_546] : memref<128x128xf32, #tpu.memory_space<vmem>>[vector<16xi32>, vector<16xi32>], vector<16xf32>,
          %gather3A_552 = arith.constant 0 : i32
          %gather3A_553 = arith.constant 0 : i32
          %gather3A_554 = tpu.memref_slice %arg11[%scan3A_286, %gather3A_552, %gather3A_553] : memref<4x128x128xf32, #tpu.memory_space<vmem>> -> memref<1x128x128xf32, #tpu.memory_space<vmem>>
          %gather3A_555 = tpu.memref_squeeze %gather3A_554 : memref<1x128x128xf32, #tpu.memory_space<vmem>> -> memref<128x128xf32, #tpu.memory_space<vmem>>
          %gather3A_556 = tpu.vector_load_idx %gather3A_555[%add3A_384, %and3A_546] : memref<128x128xf32, #tpu.memory_space<vmem>>[vector<16xi32>, vector<16xi32>], vector<16xf32>,
          %mul3A_557 = arith.mulf %gather3A_551, %gather3A_556 : vector<16xf32>
          %add3A_558 = arith.addf %add3A_520, %mul3A_557 : vector<16xf32>
          %add3A_559 = arith.constant 8 : i32
          %add3A_560 = arith.addi %mul3A_407, %add3A_559 : i32
          %add3A_561 = vector.broadcast %add3A_560 : i32 to vector<16xi32>
          %add3A_562 = arith.addi %iota3A, %add3A_561 : vector<16xi32>
          %and3A_563 = arith.constant 127 : i32
          %and3A_564 = vector.broadcast %and3A_563 : i32 to vector<16xi32>
          %and3A_565 = arith.andi %add3A_562, %and3A_564 : vector<16xi32>
          %gather3A_566 = arith.constant 0 : i32
          %gather3A_567 = arith.constant 0 : i32
          %gather3A_568 = tpu.memref_slice %arg11[%scan3A_285, %gather3A_566, %gather3A_567] : memref<4x128x128xf32, #tpu.memory_space<vmem>> -> memref<1x128x128xf32, #tpu.memory_space<vmem>>
          %gather3A_569 = tpu.memref_squeeze %gather3A_568 : memref<1x128x128xf32, #tpu.memory_space<vmem>> -> memref<128x128xf32, #tpu.memory_space<vmem>>
          %gather3A_570 = tpu.vector_load_idx %gather3A_569[%add3A_384, %and3A_565] : memref<128x128xf32, #tpu.memory_space<vmem>>[vector<16xi32>, vector<16xi32>], vector<16xf32>,
          %gather3A_571 = arith.constant 0 : i32
          %gather3A_572 = arith.constant 0 : i32
          %gather3A_573 = tpu.memref_slice %arg11[%scan3A_286, %gather3A_571, %gather3A_572] : memref<4x128x128xf32, #tpu.memory_space<vmem>> -> memref<1x128x128xf32, #tpu.memory_space<vmem>>
          %gather3A_574 = tpu.memref_squeeze %gather3A_573 : memref<1x128x128xf32, #tpu.memory_space<vmem>> -> memref<128x128xf32, #tpu.memory_space<vmem>>
          %gather3A_575 = tpu.vector_load_idx %gather3A_574[%add3A_384, %and3A_565] : memref<128x128xf32, #tpu.memory_space<vmem>>[vector<16xi32>, vector<16xi32>], vector<16xf32>,
          %mul3A_576 = arith.mulf %gather3A_570, %gather3A_575 : vector<16xf32>
          %add3A_577 = arith.addf %add3A_539, %mul3A_576 : vector<16xf32>
          %add3A_578 = arith.constant 9 : i32
          %add3A_579 = arith.addi %mul3A_407, %add3A_578 : i32
          %add3A_580 = vector.broadcast %add3A_579 : i32 to vector<16xi32>
          %add3A_581 = arith.addi %iota3A, %add3A_580 : vector<16xi32>
          %and3A_582 = arith.constant 127 : i32
          %and3A_583 = vector.broadcast %and3A_582 : i32 to vector<16xi32>
          %and3A_584 = arith.andi %add3A_581, %and3A_583 : vector<16xi32>
          %gather3A_585 = arith.constant 0 : i32
          %gather3A_586 = arith.constant 0 : i32
          %gather3A_587 = tpu.memref_slice %arg11[%scan3A_285, %gather3A_585, %gather3A_586] : memref<4x128x128xf32, #tpu.memory_space<vmem>> -> memref<1x128x128xf32, #tpu.memory_space<vmem>>
          %gather3A_588 = tpu.memref_squeeze %gather3A_587 : memref<1x128x128xf32, #tpu.memory_space<vmem>> -> memref<128x128xf32, #tpu.memory_space<vmem>>
          %gather3A_589 = tpu.vector_load_idx %gather3A_588[%add3A_384, %and3A_584] : memref<128x128xf32, #tpu.memory_space<vmem>>[vector<16xi32>, vector<16xi32>], vector<16xf32>,
          %gather3A_590 = arith.constant 0 : i32
          %gather3A_591 = arith.constant 0 : i32
          %gather3A_592 = tpu.memref_slice %arg11[%scan3A_286, %gather3A_590, %gather3A_591] : memref<4x128x128xf32, #tpu.memory_space<vmem>> -> memref<1x128x128xf32, #tpu.memory_space<vmem>>
          %gather3A_593 = tpu.memref_squeeze %gather3A_592 : memref<1x128x128xf32, #tpu.memory_space<vmem>> -> memref<128x128xf32, #tpu.memory_space<vmem>>
          %gather3A_594 = tpu.vector_load_idx %gather3A_593[%add3A_384, %and3A_584] : memref<128x128xf32, #tpu.memory_space<vmem>>[vector<16xi32>, vector<16xi32>], vector<16xf32>,
          %mul3A_595 = arith.mulf %gather3A_589, %gather3A_594 : vector<16xf32>
          %add3A_596 = arith.addf %add3A_558, %mul3A_595 : vector<16xf32>
          %add3A_597 = arith.constant 10 : i32
          %add3A_598 = arith.addi %mul3A_407, %add3A_597 : i32
          %add3A_599 = vector.broadcast %add3A_598 : i32 to vector<16xi32>
          %add3A_600 = arith.addi %iota3A, %add3A_599 : vector<16xi32>
          %and3A_601 = arith.constant 127 : i32
          %and3A_602 = vector.broadcast %and3A_601 : i32 to vector<16xi32>
          %and3A_603 = arith.andi %add3A_600, %and3A_602 : vector<16xi32>
          %gather3A_604 = arith.constant 0 : i32
          %gather3A_605 = arith.constant 0 : i32
          %gather3A_606 = tpu.memref_slice %arg11[%scan3A_285, %gather3A_604, %gather3A_605] : memref<4x128x128xf32, #tpu.memory_space<vmem>> -> memref<1x128x128xf32, #tpu.memory_space<vmem>>
          %gather3A_607 = tpu.memref_squeeze %gather3A_606 : memref<1x128x128xf32, #tpu.memory_space<vmem>> -> memref<128x128xf32, #tpu.memory_space<vmem>>
          %gather3A_608 = tpu.vector_load_idx %gather3A_607[%add3A_384, %and3A_603] : memref<128x128xf32, #tpu.memory_space<vmem>>[vector<16xi32>, vector<16xi32>], vector<16xf32>,
          %gather3A_609 = arith.constant 0 : i32
          %gather3A_610 = arith.constant 0 : i32
          %gather3A_611 = tpu.memref_slice %arg11[%scan3A_286, %gather3A_609, %gather3A_610] : memref<4x128x128xf32, #tpu.memory_space<vmem>> -> memref<1x128x128xf32, #tpu.memory_space<vmem>>
          %gather3A_612 = tpu.memref_squeeze %gather3A_611 : memref<1x128x128xf32, #tpu.memory_space<vmem>> -> memref<128x128xf32, #tpu.memory_space<vmem>>
          %gather3A_613 = tpu.vector_load_idx %gather3A_612[%add3A_384, %and3A_603] : memref<128x128xf32, #tpu.memory_space<vmem>>[vector<16xi32>, vector<16xi32>], vector<16xf32>,
          %mul3A_614 = arith.mulf %gather3A_608, %gather3A_613 : vector<16xf32>
          %add3A_615 = arith.addf %add3A_577, %mul3A_614 : vector<16xf32>
          %add3A_616 = arith.constant 11 : i32
          %add3A_617 = arith.addi %mul3A_407, %add3A_616 : i32
          %add3A_618 = vector.broadcast %add3A_617 : i32 to vector<16xi32>
          %add3A_619 = arith.addi %iota3A, %add3A_618 : vector<16xi32>
          %and3A_620 = arith.constant 127 : i32
          %and3A_621 = vector.broadcast %and3A_620 : i32 to vector<16xi32>
          %and3A_622 = arith.andi %add3A_619, %and3A_621 : vector<16xi32>
          %gather3A_623 = arith.constant 0 : i32
          %gather3A_624 = arith.constant 0 : i32
          %gather3A_625 = tpu.memref_slice %arg11[%scan3A_285, %gather3A_623, %gather3A_624] : memref<4x128x128xf32, #tpu.memory_space<vmem>> -> memref<1x128x128xf32, #tpu.memory_space<vmem>>
          %gather3A_626 = tpu.memref_squeeze %gather3A_625 : memref<1x128x128xf32, #tpu.memory_space<vmem>> -> memref<128x128xf32, #tpu.memory_space<vmem>>
          %gather3A_627 = tpu.vector_load_idx %gather3A_626[%add3A_384, %and3A_622] : memref<128x128xf32, #tpu.memory_space<vmem>>[vector<16xi32>, vector<16xi32>], vector<16xf32>,
          %gather3A_628 = arith.constant 0 : i32
          %gather3A_629 = arith.constant 0 : i32
          %gather3A_630 = tpu.memref_slice %arg11[%scan3A_286, %gather3A_628, %gather3A_629] : memref<4x128x128xf32, #tpu.memory_space<vmem>> -> memref<1x128x128xf32, #tpu.memory_space<vmem>>
          %gather3A_631 = tpu.memref_squeeze %gather3A_630 : memref<1x128x128xf32, #tpu.memory_space<vmem>> -> memref<128x128xf32, #tpu.memory_space<vmem>>
          %gather3A_632 = tpu.vector_load_idx %gather3A_631[%add3A_384, %and3A_622] : memref<128x128xf32, #tpu.memory_space<vmem>>[vector<16xi32>, vector<16xi32>], vector<16xf32>,
          %mul3A_633 = arith.mulf %gather3A_627, %gather3A_632 : vector<16xf32>
          %add3A_634 = arith.addf %add3A_596, %mul3A_633 : vector<16xf32>
          %add3A_635 = arith.constant 12 : i32
          %add3A_636 = arith.addi %mul3A_407, %add3A_635 : i32
          %add3A_637 = vector.broadcast %add3A_636 : i32 to vector<16xi32>
          %add3A_638 = arith.addi %iota3A, %add3A_637 : vector<16xi32>
          %and3A_639 = arith.constant 127 : i32
          %and3A_640 = vector.broadcast %and3A_639 : i32 to vector<16xi32>
          %and3A_641 = arith.andi %add3A_638, %and3A_640 : vector<16xi32>
          %gather3A_642 = arith.constant 0 : i32
          %gather3A_643 = arith.constant 0 : i32
          %gather3A_644 = tpu.memref_slice %arg11[%scan3A_285, %gather3A_642, %gather3A_643] : memref<4x128x128xf32, #tpu.memory_space<vmem>> -> memref<1x128x128xf32, #tpu.memory_space<vmem>>
          %gather3A_645 = tpu.memref_squeeze %gather3A_644 : memref<1x128x128xf32, #tpu.memory_space<vmem>> -> memref<128x128xf32, #tpu.memory_space<vmem>>
          %gather3A_646 = tpu.vector_load_idx %gather3A_645[%add3A_384, %and3A_641] : memref<128x128xf32, #tpu.memory_space<vmem>>[vector<16xi32>, vector<16xi32>], vector<16xf32>,
          %gather3A_647 = arith.constant 0 : i32
          %gather3A_648 = arith.constant 0 : i32
          %gather3A_649 = tpu.memref_slice %arg11[%scan3A_286, %gather3A_647, %gather3A_648] : memref<4x128x128xf32, #tpu.memory_space<vmem>> -> memref<1x128x128xf32, #tpu.memory_space<vmem>>
          %gather3A_650 = tpu.memref_squeeze %gather3A_649 : memref<1x128x128xf32, #tpu.memory_space<vmem>> -> memref<128x128xf32, #tpu.memory_space<vmem>>
          %gather3A_651 = tpu.vector_load_idx %gather3A_650[%add3A_384, %and3A_641] : memref<128x128xf32, #tpu.memory_space<vmem>>[vector<16xi32>, vector<16xi32>], vector<16xf32>,
          %mul3A_652 = arith.mulf %gather3A_646, %gather3A_651 : vector<16xf32>
          %add3A_653 = arith.addf %add3A_615, %mul3A_652 : vector<16xf32>
          %add3A_654 = arith.constant 13 : i32
          %add3A_655 = arith.addi %mul3A_407, %add3A_654 : i32
          %add3A_656 = vector.broadcast %add3A_655 : i32 to vector<16xi32>
          %add3A_657 = arith.addi %iota3A, %add3A_656 : vector<16xi32>
          %and3A_658 = arith.constant 127 : i32
          %and3A_659 = vector.broadcast %and3A_658 : i32 to vector<16xi32>
          %and3A_660 = arith.andi %add3A_657, %and3A_659 : vector<16xi32>
          %gather3A_661 = arith.constant 0 : i32
          %gather3A_662 = arith.constant 0 : i32
          %gather3A_663 = tpu.memref_slice %arg11[%scan3A_285, %gather3A_661, %gather3A_662] : memref<4x128x128xf32, #tpu.memory_space<vmem>> -> memref<1x128x128xf32, #tpu.memory_space<vmem>>
          %gather3A_664 = tpu.memref_squeeze %gather3A_663 : memref<1x128x128xf32, #tpu.memory_space<vmem>> -> memref<128x128xf32, #tpu.memory_space<vmem>>
          %gather3A_665 = tpu.vector_load_idx %gather3A_664[%add3A_384, %and3A_660] : memref<128x128xf32, #tpu.memory_space<vmem>>[vector<16xi32>, vector<16xi32>], vector<16xf32>,
          %gather3A_666 = arith.constant 0 : i32
          %gather3A_667 = arith.constant 0 : i32
          %gather3A_668 = tpu.memref_slice %arg11[%scan3A_286, %gather3A_666, %gather3A_667] : memref<4x128x128xf32, #tpu.memory_space<vmem>> -> memref<1x128x128xf32, #tpu.memory_space<vmem>>
          %gather3A_669 = tpu.memref_squeeze %gather3A_668 : memref<1x128x128xf32, #tpu.memory_space<vmem>> -> memref<128x128xf32, #tpu.memory_space<vmem>>
          %gather3A_670 = tpu.vector_load_idx %gather3A_669[%add3A_384, %and3A_660] : memref<128x128xf32, #tpu.memory_space<vmem>>[vector<16xi32>, vector<16xi32>], vector<16xf32>,
          %mul3A_671 = arith.mulf %gather3A_665, %gather3A_670 : vector<16xf32>
          %add3A_672 = arith.addf %add3A_634, %mul3A_671 : vector<16xf32>
          %add3A_673 = arith.constant 14 : i32
          %add3A_674 = arith.addi %mul3A_407, %add3A_673 : i32
          %add3A_675 = vector.broadcast %add3A_674 : i32 to vector<16xi32>
          %add3A_676 = arith.addi %iota3A, %add3A_675 : vector<16xi32>
          %and3A_677 = arith.constant 127 : i32
          %and3A_678 = vector.broadcast %and3A_677 : i32 to vector<16xi32>
          %and3A_679 = arith.andi %add3A_676, %and3A_678 : vector<16xi32>
          %gather3A_680 = arith.constant 0 : i32
          %gather3A_681 = arith.constant 0 : i32
          %gather3A_682 = tpu.memref_slice %arg11[%scan3A_285, %gather3A_680, %gather3A_681] : memref<4x128x128xf32, #tpu.memory_space<vmem>> -> memref<1x128x128xf32, #tpu.memory_space<vmem>>
          %gather3A_683 = tpu.memref_squeeze %gather3A_682 : memref<1x128x128xf32, #tpu.memory_space<vmem>> -> memref<128x128xf32, #tpu.memory_space<vmem>>
          %gather3A_684 = tpu.vector_load_idx %gather3A_683[%add3A_384, %and3A_679] : memref<128x128xf32, #tpu.memory_space<vmem>>[vector<16xi32>, vector<16xi32>], vector<16xf32>,
          %gather3A_685 = arith.constant 0 : i32
          %gather3A_686 = arith.constant 0 : i32
          %gather3A_687 = tpu.memref_slice %arg11[%scan3A_286, %gather3A_685, %gather3A_686] : memref<4x128x128xf32, #tpu.memory_space<vmem>> -> memref<1x128x128xf32, #tpu.memory_space<vmem>>
          %gather3A_688 = tpu.memref_squeeze %gather3A_687 : memref<1x128x128xf32, #tpu.memory_space<vmem>> -> memref<128x128xf32, #tpu.memory_space<vmem>>
          %gather3A_689 = tpu.vector_load_idx %gather3A_688[%add3A_384, %and3A_679] : memref<128x128xf32, #tpu.memory_space<vmem>>[vector<16xi32>, vector<16xi32>], vector<16xf32>,
          %mul3A_690 = arith.mulf %gather3A_684, %gather3A_689 : vector<16xf32>
          %add3A_691 = arith.addf %add3A_653, %mul3A_690 : vector<16xf32>
          %add3A_692 = arith.constant 15 : i32
          %add3A_693 = arith.addi %mul3A_407, %add3A_692 : i32
          %add3A_694 = vector.broadcast %add3A_693 : i32 to vector<16xi32>
          %add3A_695 = arith.addi %iota3A, %add3A_694 : vector<16xi32>
          %and3A_696 = arith.constant 127 : i32
          %and3A_697 = vector.broadcast %and3A_696 : i32 to vector<16xi32>
          %and3A_698 = arith.andi %add3A_695, %and3A_697 : vector<16xi32>
          %gather3A_699 = arith.constant 0 : i32
          %gather3A_700 = arith.constant 0 : i32
          %gather3A_701 = tpu.memref_slice %arg11[%scan3A_285, %gather3A_699, %gather3A_700] : memref<4x128x128xf32, #tpu.memory_space<vmem>> -> memref<1x128x128xf32, #tpu.memory_space<vmem>>
          %gather3A_702 = tpu.memref_squeeze %gather3A_701 : memref<1x128x128xf32, #tpu.memory_space<vmem>> -> memref<128x128xf32, #tpu.memory_space<vmem>>
          %gather3A_703 = tpu.vector_load_idx %gather3A_702[%add3A_384, %and3A_698] : memref<128x128xf32, #tpu.memory_space<vmem>>[vector<16xi32>, vector<16xi32>], vector<16xf32>,
          %gather3A_704 = arith.constant 0 : i32
          %gather3A_705 = arith.constant 0 : i32
          %gather3A_706 = tpu.memref_slice %arg11[%scan3A_286, %gather3A_704, %gather3A_705] : memref<4x128x128xf32, #tpu.memory_space<vmem>> -> memref<1x128x128xf32, #tpu.memory_space<vmem>>
          %gather3A_707 = tpu.memref_squeeze %gather3A_706 : memref<1x128x128xf32, #tpu.memory_space<vmem>> -> memref<128x128xf32, #tpu.memory_space<vmem>>
          %gather3A_708 = tpu.vector_load_idx %gather3A_707[%add3A_384, %and3A_698] : memref<128x128xf32, #tpu.memory_space<vmem>>[vector<16xi32>, vector<16xi32>], vector<16xf32>,
          %mul3A_709 = arith.mulf %gather3A_703, %gather3A_708 : vector<16xf32>
          %add3A_710 = arith.addf %add3A_672, %mul3A_709 : vector<16xf32>
          scf.yield %add3A_691, %add3A_710 : vector<16xf32>, vector<16xf32>
        }
        %scan3A_392 = arith.constant 8 : i32
        %mul3A_393 = arith.constant 128 : i32
        %mul3A_394 = arith.muli %add3A_244, %mul3A_393 : i32
        %add3A_395 = vector.broadcast %mul3A_394 : i32 to vector<16xi32>
        %add3A_396 = arith.addi %add3A_384, %add3A_395 : vector<16xi32>
        %gather3A = tpu.vector_load_idx %arg12[%broadcast_in_dim3A_183, %add3A_396] : memref<4x512xf32, #tpu.memory_space<vmem>>[vector<16xi32>, vector<16xi32>], vector<16xf32>,
        %gather3A_397 = tpu.vector_load_idx %arg12[%broadcast_in_dim3A_185, %add3A_396] : memref<4x512xf32, #tpu.memory_space<vmem>>[vector<16xi32>, vector<16xi32>], vector<16xf32>,
        %gather3A_398 = tpu.vector_load_idx %arg12[%broadcast_in_dim3A_187, %add3A_396] : memref<4x512xf32, #tpu.memory_space<vmem>>[vector<16xi32>, vector<16xi32>], vector<16xf32>,
        %add3A_399 = arith.addf %scan3A_391#0, %scan3A_391#1 : vector<16xf32>
        %add3A_400 = arith.addf %add3A_399, %gather3A : vector<16xf32>
        %add3A_401 = arith.addf %add3A_400, %gather3A_397 : vector<16xf32>
        %add3A_402 = arith.addf %add3A_401, %gather3A_398 : vector<16xf32>
        tpu.vector_store_idx %arg12[%broadcast_in_dim3A_189, %add3A_396], %add3A_402 : memref<4x512xf32, #tpu.memory_space<vmem>>[vector<16xi32>, vector<16xi32>], vector<16xf32>,
      }
      %scan3A_291 = arith.constant 8 : i32
      %mul3A_292 = arith.constant 128 : i32
      %mul3A_293 = arith.muli %add3A_244, %mul3A_292 : i32
      %mul3A_294 = arith.constant 128 : i32
      %mul3A_295 = arith.muli %add3A_244, %mul3A_294 : i32
      %add3A_296 = arith.addi %mul3A_2, %mul3A_295 : i32
      %dma_start3A_297 = arith.constant 3 : i32
      %dma_start3A_298 = tpu.memref_slice %arg12[%dma_start3A_297, %mul3A_293] : memref<4x512xf32, #tpu.memory_space<vmem>> -> memref<1x128xf32, #tpu.memory_space<vmem>>
      %dma_start3A_299 = tpu.memref_squeeze %dma_start3A_298 : memref<1x128xf32, #tpu.memory_space<vmem>> -> memref<128xf32, #tpu.memory_space<vmem>>
      %dma_start3A_300 = tpu.memref_slice %arg9[%add3A_296] : memref<16384xf32, #tpu.memory_space<hbm>> -> memref<128xf32, #tpu.memory_space<hbm>>
      %dma_start3A_301 = tpu.memref_slice %arg9[%add3A_296] : memref<16384xf32, #tpu.memory_space<hbm>> -> memref<128xf32, #tpu.memory_space<hbm>>
      %dma_start3A_302 = tpu.memref_slice %arg12[%dma_start3A_297, %mul3A_293] : memref<4x512xf32, #tpu.memory_space<vmem>> -> memref<1x128xf32, #tpu.memory_space<vmem>>
      %dma_start3A_303 = tpu.memref_squeeze %dma_start3A_302 : memref<1x128xf32, #tpu.memory_space<vmem>> -> memref<128xf32, #tpu.memory_space<vmem>>
      tpu.enqueue_dma source(%dma_start3A_303 : memref<128xf32, #tpu.memory_space<vmem>>) target(%dma_start3A_301 : memref<128xf32, #tpu.memory_space<hbm>>) target_semaphore(%arg16 : memref<!tpu.dma_semaphore, #tpu.memory_space<semaphore_mem>>)
      %add3A_304 = arith.constant 2 : i32
      %add3A_305 = arith.addi %add3A_244, %add3A_304 : i32
      %lt3A = arith.constant 4 : i32
      %lt3A_306 = arith.cmpi slt, %add3A_305, %lt3A : i32
      %convert_element_type3A = arith.extui %lt3A_306 : i1 to i32
      %cond3A = arith.constant 0 : i32
      %cond3A_307 = arith.cmpi ne, %convert_element_type3A, %cond3A : i32
      scf.if %cond3A_307 {
        %add3A_376 = arith.constant 2 : i32
        %add3A_377 = arith.addi %add3A_244, %add3A_376 : i32
        %mul3A_378 = arith.constant 128 : i32
        %mul3A_379 = arith.muli %add3A_377, %mul3A_378 : i32
        %dma_start3A_380 = arith.constant 0 : i32
        %dma_start3A_381 = arith.constant 0 : i32
        %dma_start3A_382 = arith.constant 0 : i32
        %dma_start3A_383 = arith.constant 0 : i32
        %dma_start3A_384 = tpu.memref_slice %arg11[%dma_start3A_381, %dma_start3A_382, %dma_start3A_383] : memref<4x128x128xf32, #tpu.memory_space<vmem>> -> memref<1x128x128xf32, #tpu.memory_space<vmem>>
        %dma_start3A_385 = tpu.memref_squeeze %dma_start3A_384 : memref<1x128x128xf32, #tpu.memory_space<vmem>> -> memref<128x128xf32, #tpu.memory_space<vmem>>
        %dma_start3A_386 = tpu.memref_slice %arg10[%dma_start3A_380, %mul3A_379] : memref<2x512xi32, #tpu.memory_space<vmem>> -> memref<1x128xi32, #tpu.memory_space<vmem>>
        %dma_start3A_387 = tpu.memref_squeeze %dma_start3A_386 : memref<1x128xi32, #tpu.memory_space<vmem>> -> memref<128xi32, #tpu.memory_space<vmem>>
        %dma_start3A_388 = arith.constant 0 : i32
        %dma_start3A_389 = arith.constant 0 : i32
        %dma_start3A_390 = tpu.memref_slice %arg5[%dma_start3A_388, %dma_start3A_389] : memref<100000x128xf32, #tpu.memory_space<hbm>> -> memref<100000x128xf32, #tpu.memory_space<hbm>>
        tpu.enqueue_indirect_dma source(%dma_start3A_390 : memref<100000x128xf32, #tpu.memory_space<hbm>>) target(%dma_start3A_385 : memref<128x128xf32, #tpu.memory_space<vmem>>) offsets(%dma_start3A_387 : memref<128xi32, #tpu.memory_space<vmem>>) semaphore(%arg13 : memref<!tpu.dma_semaphore, #tpu.memory_space<semaphore_mem>>)
        %dma_start3A_391 = arith.constant 1 : i32
        %dma_start3A_392 = arith.constant 1 : i32
        %dma_start3A_393 = arith.constant 0 : i32
        %dma_start3A_394 = arith.constant 0 : i32
        %dma_start3A_395 = tpu.memref_slice %arg11[%dma_start3A_392, %dma_start3A_393, %dma_start3A_394] : memref<4x128x128xf32, #tpu.memory_space<vmem>> -> memref<1x128x128xf32, #tpu.memory_space<vmem>>
        %dma_start3A_396 = tpu.memref_squeeze %dma_start3A_395 : memref<1x128x128xf32, #tpu.memory_space<vmem>> -> memref<128x128xf32, #tpu.memory_space<vmem>>
        %dma_start3A_397 = tpu.memref_slice %arg10[%dma_start3A_391, %mul3A_379] : memref<2x512xi32, #tpu.memory_space<vmem>> -> memref<1x128xi32, #tpu.memory_space<vmem>>
        %dma_start3A_398 = tpu.memref_squeeze %dma_start3A_397 : memref<1x128xi32, #tpu.memory_space<vmem>> -> memref<128xi32, #tpu.memory_space<vmem>>
        %dma_start3A_399 = arith.constant 0 : i32
        %dma_start3A_400 = arith.constant 0 : i32
        %dma_start3A_401 = tpu.memref_slice %arg6[%dma_start3A_399, %dma_start3A_400] : memref<100000x128xf32, #tpu.memory_space<hbm>> -> memref<100000x128xf32, #tpu.memory_space<hbm>>
        tpu.enqueue_indirect_dma source(%dma_start3A_401 : memref<100000x128xf32, #tpu.memory_space<hbm>>) target(%dma_start3A_396 : memref<128x128xf32, #tpu.memory_space<vmem>>) offsets(%dma_start3A_398 : memref<128xi32, #tpu.memory_space<vmem>>) semaphore(%arg13 : memref<!tpu.dma_semaphore, #tpu.memory_space<semaphore_mem>>)
        %dma_start3A_402 = arith.constant 0 : i32
        %dma_start3A_403 = arith.constant 0 : i32
        %dma_start3A_404 = tpu.memref_slice %arg12[%dma_start3A_403, %mul3A_379] : memref<4x512xf32, #tpu.memory_space<vmem>> -> memref<1x128xf32, #tpu.memory_space<vmem>>
        %dma_start3A_405 = tpu.memref_squeeze %dma_start3A_404 : memref<1x128xf32, #tpu.memory_space<vmem>> -> memref<128xf32, #tpu.memory_space<vmem>>
        %dma_start3A_406 = tpu.memref_slice %arg10[%dma_start3A_402, %mul3A_379] : memref<2x512xi32, #tpu.memory_space<vmem>> -> memref<1x128xi32, #tpu.memory_space<vmem>>
        %dma_start3A_407 = tpu.memref_squeeze %dma_start3A_406 : memref<1x128xi32, #tpu.memory_space<vmem>> -> memref<128xi32, #tpu.memory_space<vmem>>
        %dma_start3A_408 = arith.constant 0 : i32
        %dma_start3A_409 = tpu.memref_slice %arg7[%dma_start3A_408] : memref<100352xf32, #tpu.memory_space<hbm>> -> memref<100352xf32, #tpu.memory_space<hbm>>
        tpu.enqueue_indirect_dma source(%dma_start3A_409 : memref<100352xf32, #tpu.memory_space<hbm>>) target(%dma_start3A_405 : memref<128xf32, #tpu.memory_space<vmem>>) offsets(%dma_start3A_407 : memref<128xi32, #tpu.memory_space<vmem>>) semaphore(%arg13 : memref<!tpu.dma_semaphore, #tpu.memory_space<semaphore_mem>>)
        %dma_start3A_410 = arith.constant 1 : i32
        %dma_start3A_411 = arith.constant 1 : i32
        %dma_start3A_412 = tpu.memref_slice %arg12[%dma_start3A_411, %mul3A_379] : memref<4x512xf32, #tpu.memory_space<vmem>> -> memref<1x128xf32, #tpu.memory_space<vmem>>
        %dma_start3A_413 = tpu.memref_squeeze %dma_start3A_412 : memref<1x128xf32, #tpu.memory_space<vmem>> -> memref<128xf32, #tpu.memory_space<vmem>>
        %dma_start3A_414 = tpu.memref_slice %arg10[%dma_start3A_410, %mul3A_379] : memref<2x512xi32, #tpu.memory_space<vmem>> -> memref<1x128xi32, #tpu.memory_space<vmem>>
        %dma_start3A_415 = tpu.memref_squeeze %dma_start3A_414 : memref<1x128xi32, #tpu.memory_space<vmem>> -> memref<128xi32, #tpu.memory_space<vmem>>
        %dma_start3A_416 = arith.constant 0 : i32
        %dma_start3A_417 = tpu.memref_slice %arg8[%dma_start3A_416] : memref<100352xf32, #tpu.memory_space<hbm>> -> memref<100352xf32, #tpu.memory_space<hbm>>
        tpu.enqueue_indirect_dma source(%dma_start3A_417 : memref<100352xf32, #tpu.memory_space<hbm>>) target(%dma_start3A_413 : memref<128xf32, #tpu.memory_space<vmem>>) offsets(%dma_start3A_415 : memref<128xi32, #tpu.memory_space<vmem>>) semaphore(%arg13 : memref<!tpu.dma_semaphore, #tpu.memory_space<semaphore_mem>>)
      } else {
      }
      %add3A_308 = arith.constant 1 : i32
      %add3A_309 = arith.addi %add3A_242, %add3A_308 : i32
      %mul3A_310 = arith.constant 128 : i32
      %mul3A_311 = arith.muli %add3A_309, %mul3A_310 : i32
      %dma_wait3A_312 = arith.constant 0 : i32
      %dma_wait3A_313 = arith.constant 2 : i32
      %dma_wait3A_314 = arith.constant 0 : i32
      %dma_wait3A_315 = arith.constant 0 : i32
      %dma_wait3A_316 = tpu.memref_slice %arg11[%dma_wait3A_313, %dma_wait3A_314, %dma_wait3A_315] : memref<4x128x128xf32, #tpu.memory_space<vmem>> -> memref<1x128x128xf32, #tpu.memory_space<vmem>>
      %dma_wait3A_317 = tpu.memref_squeeze %dma_wait3A_316 : memref<1x128x128xf32, #tpu.memory_space<vmem>> -> memref<128x128xf32, #tpu.memory_space<vmem>>
      %dma_wait3A_318 = tpu.memref_slice %arg10[%dma_wait3A_312, %mul3A_311] : memref<2x512xi32, #tpu.memory_space<vmem>> -> memref<1x128xi32, #tpu.memory_space<vmem>>
      %dma_wait3A_319 = tpu.memref_squeeze %dma_wait3A_318 : memref<1x128xi32, #tpu.memory_space<vmem>> -> memref<128xi32, #tpu.memory_space<vmem>>
      %dma_wait3A_320 = arith.constant 0 : i32
      %dma_wait3A_321 = arith.constant 0 : i32
      %dma_wait3A_322 = tpu.memref_slice %arg5[%dma_wait3A_320, %dma_wait3A_321] : memref<100000x128xf32, #tpu.memory_space<hbm>> -> memref<100000x128xf32, #tpu.memory_space<hbm>>
      tpu.wait_indirect_dma semaphore(%arg14 : memref<!tpu.dma_semaphore, #tpu.memory_space<semaphore_mem>>) src(%dma_wait3A_322 : memref<100000x128xf32, #tpu.memory_space<hbm>>) dst(%dma_wait3A_317 : memref<128x128xf32, #tpu.memory_space<vmem>>)
      %dma_wait3A_323 = arith.constant 1 : i32
      %dma_wait3A_324 = arith.constant 3 : i32
      %dma_wait3A_325 = arith.constant 0 : i32
      %dma_wait3A_326 = arith.constant 0 : i32
      %dma_wait3A_327 = tpu.memref_slice %arg11[%dma_wait3A_324, %dma_wait3A_325, %dma_wait3A_326] : memref<4x128x128xf32, #tpu.memory_space<vmem>> -> memref<1x128x128xf32, #tpu.memory_space<vmem>>
      %dma_wait3A_328 = tpu.memref_squeeze %dma_wait3A_327 : memref<1x128x128xf32, #tpu.memory_space<vmem>> -> memref<128x128xf32, #tpu.memory_space<vmem>>
      %dma_wait3A_329 = tpu.memref_slice %arg10[%dma_wait3A_323, %mul3A_311] : memref<2x512xi32, #tpu.memory_space<vmem>> -> memref<1x128xi32, #tpu.memory_space<vmem>>
      %dma_wait3A_330 = tpu.memref_squeeze %dma_wait3A_329 : memref<1x128xi32, #tpu.memory_space<vmem>> -> memref<128xi32, #tpu.memory_space<vmem>>
      %dma_wait3A_331 = arith.constant 0 : i32
      %dma_wait3A_332 = arith.constant 0 : i32
      %dma_wait3A_333 = tpu.memref_slice %arg6[%dma_wait3A_331, %dma_wait3A_332] : memref<100000x128xf32, #tpu.memory_space<hbm>> -> memref<100000x128xf32, #tpu.memory_space<hbm>>
      tpu.wait_indirect_dma semaphore(%arg14 : memref<!tpu.dma_semaphore, #tpu.memory_space<semaphore_mem>>) src(%dma_wait3A_333 : memref<100000x128xf32, #tpu.memory_space<hbm>>) dst(%dma_wait3A_328 : memref<128x128xf32, #tpu.memory_space<vmem>>)
      %dma_wait3A_334 = arith.constant 0 : i32
      %dma_wait3A_335 = arith.constant 0 : i32
      %dma_wait3A_336 = tpu.memref_slice %arg12[%dma_wait3A_335, %mul3A_311] : memref<4x512xf32, #tpu.memory_space<vmem>> -> memref<1x128xf32, #tpu.memory_space<vmem>>
      %dma_wait3A_337 = tpu.memref_squeeze %dma_wait3A_336 : memref<1x128xf32, #tpu.memory_space<vmem>> -> memref<128xf32, #tpu.memory_space<vmem>>
      %dma_wait3A_338 = tpu.memref_slice %arg10[%dma_wait3A_334, %mul3A_311] : memref<2x512xi32, #tpu.memory_space<vmem>> -> memref<1x128xi32, #tpu.memory_space<vmem>>
      %dma_wait3A_339 = tpu.memref_squeeze %dma_wait3A_338 : memref<1x128xi32, #tpu.memory_space<vmem>> -> memref<128xi32, #tpu.memory_space<vmem>>
      %dma_wait3A_340 = arith.constant 0 : i32
      %dma_wait3A_341 = tpu.memref_slice %arg7[%dma_wait3A_340] : memref<100352xf32, #tpu.memory_space<hbm>> -> memref<100352xf32, #tpu.memory_space<hbm>>
      tpu.wait_indirect_dma semaphore(%arg14 : memref<!tpu.dma_semaphore, #tpu.memory_space<semaphore_mem>>) src(%dma_wait3A_341 : memref<100352xf32, #tpu.memory_space<hbm>>) dst(%dma_wait3A_337 : memref<128xf32, #tpu.memory_space<vmem>>)
      %dma_wait3A_342 = arith.constant 1 : i32
      %dma_wait3A_343 = arith.constant 1 : i32
      %dma_wait3A_344 = tpu.memref_slice %arg12[%dma_wait3A_343, %mul3A_311] : memref<4x512xf32, #tpu.memory_space<vmem>> -> memref<1x128xf32, #tpu.memory_space<vmem>>
      %dma_wait3A_345 = tpu.memref_squeeze %dma_wait3A_344 : memref<1x128xf32, #tpu.memory_space<vmem>> -> memref<128xf32, #tpu.memory_space<vmem>>
      %dma_wait3A_346 = tpu.memref_slice %arg10[%dma_wait3A_342, %mul3A_311] : memref<2x512xi32, #tpu.memory_space<vmem>> -> memref<1x128xi32, #tpu.memory_space<vmem>>
      %dma_wait3A_347 = tpu.memref_squeeze %dma_wait3A_346 : memref<1x128xi32, #tpu.memory_space<vmem>> -> memref<128xi32, #tpu.memory_space<vmem>>
      %dma_wait3A_348 = arith.constant 0 : i32
      %dma_wait3A_349 = tpu.memref_slice %arg8[%dma_wait3A_348] : memref<100352xf32, #tpu.memory_space<hbm>> -> memref<100352xf32, #tpu.memory_space<hbm>>
      tpu.wait_indirect_dma semaphore(%arg14 : memref<!tpu.dma_semaphore, #tpu.memory_space<semaphore_mem>>) src(%dma_wait3A_349 : memref<100352xf32, #tpu.memory_space<hbm>>) dst(%dma_wait3A_345 : memref<128xf32, #tpu.memory_space<vmem>>)
      %scan3A_350 = arith.constant 2 : i32
      %scan3A_351 = arith.constant 3 : i32
      %scan3A_352 = arith.constant 0 : i32
      %scan3A_353 = arith.constant 8 : i32
      %scan3A_354 = arith.addi %scan3A_352, %scan3A_353 : i32
      %scan3A_355 = arith.constant 1 : i32
      scf.for %scan3A_376 = %scan3A_352 to %scan3A_354 step %scan3A_355  : i32 {
        %mul3A_377 = arith.constant 1 : i32
        %mul3A_378 = arith.muli %scan3A_376, %mul3A_377 : i32
        %add3A_379 = arith.constant 0 : i32
        %add3A_380 = arith.addi %add3A_379, %mul3A_378 : i32
        %mul3A_381 = arith.constant 16 : i32
        %mul3A_382 = arith.muli %add3A_380, %mul3A_381 : i32
        %add3A_383 = vector.broadcast %mul3A_382 : i32 to vector<16xi32>
        %add3A_384 = arith.addi %iota3A, %add3A_383 : vector<16xi32>
        %broadcast_in_dim3A_385 = arith.constant 0.000000e+00 : f32
        %broadcast_in_dim3A_386 = vector.broadcast %broadcast_in_dim3A_385 : f32 to vector<16xf32>
        %scan3A_387 = arith.constant 0 : i32
        %scan3A_388 = arith.constant 8 : i32
        %scan3A_389 = arith.addi %scan3A_387, %scan3A_388 : i32
        %scan3A_390 = arith.constant 1 : i32
        %scan3A_391:2 = scf.for %scan3A_403 = %scan3A_387 to %scan3A_389 step %scan3A_390 iter_args(%scan3A_404 = %broadcast_in_dim3A_386, %scan3A_405 = %broadcast_in_dim3A_386) -> (vector<16xf32>, vector<16xf32>)  : i32 {
          %mul3A_406 = arith.constant 16 : i32
          %mul3A_407 = arith.muli %scan3A_403, %mul3A_406 : i32
          %add3A_408 = arith.constant 0 : i32
          %add3A_409 = arith.addi %mul3A_407, %add3A_408 : i32
          %add3A_410 = vector.broadcast %add3A_409 : i32 to vector<16xi32>
          %add3A_411 = arith.addi %iota3A, %add3A_410 : vector<16xi32>
          %and3A = arith.constant 127 : i32
          %and3A_412 = vector.broadcast %and3A : i32 to vector<16xi32>
          %and3A_413 = arith.andi %add3A_411, %and3A_412 : vector<16xi32>
          %gather3A_414 = arith.constant 0 : i32
          %gather3A_415 = arith.constant 0 : i32
          %gather3A_416 = tpu.memref_slice %arg11[%scan3A_350, %gather3A_414, %gather3A_415] : memref<4x128x128xf32, #tpu.memory_space<vmem>> -> memref<1x128x128xf32, #tpu.memory_space<vmem>>
          %gather3A_417 = tpu.memref_squeeze %gather3A_416 : memref<1x128x128xf32, #tpu.memory_space<vmem>> -> memref<128x128xf32, #tpu.memory_space<vmem>>
          %gather3A_418 = tpu.vector_load_idx %gather3A_417[%add3A_384, %and3A_413] : memref<128x128xf32, #tpu.memory_space<vmem>>[vector<16xi32>, vector<16xi32>], vector<16xf32>,
          %gather3A_419 = arith.constant 0 : i32
          %gather3A_420 = arith.constant 0 : i32
          %gather3A_421 = tpu.memref_slice %arg11[%scan3A_351, %gather3A_419, %gather3A_420] : memref<4x128x128xf32, #tpu.memory_space<vmem>> -> memref<1x128x128xf32, #tpu.memory_space<vmem>>
          %gather3A_422 = tpu.memref_squeeze %gather3A_421 : memref<1x128x128xf32, #tpu.memory_space<vmem>> -> memref<128x128xf32, #tpu.memory_space<vmem>>
          %gather3A_423 = tpu.vector_load_idx %gather3A_422[%add3A_384, %and3A_413] : memref<128x128xf32, #tpu.memory_space<vmem>>[vector<16xi32>, vector<16xi32>], vector<16xf32>,
          %mul3A_424 = arith.mulf %gather3A_418, %gather3A_423 : vector<16xf32>
          %add3A_425 = arith.addf %scan3A_404, %mul3A_424 : vector<16xf32>
          %add3A_426 = arith.constant 1 : i32
          %add3A_427 = arith.addi %mul3A_407, %add3A_426 : i32
          %add3A_428 = vector.broadcast %add3A_427 : i32 to vector<16xi32>
          %add3A_429 = arith.addi %iota3A, %add3A_428 : vector<16xi32>
          %and3A_430 = arith.constant 127 : i32
          %and3A_431 = vector.broadcast %and3A_430 : i32 to vector<16xi32>
          %and3A_432 = arith.andi %add3A_429, %and3A_431 : vector<16xi32>
          %gather3A_433 = arith.constant 0 : i32
          %gather3A_434 = arith.constant 0 : i32
          %gather3A_435 = tpu.memref_slice %arg11[%scan3A_350, %gather3A_433, %gather3A_434] : memref<4x128x128xf32, #tpu.memory_space<vmem>> -> memref<1x128x128xf32, #tpu.memory_space<vmem>>
          %gather3A_436 = tpu.memref_squeeze %gather3A_435 : memref<1x128x128xf32, #tpu.memory_space<vmem>> -> memref<128x128xf32, #tpu.memory_space<vmem>>
          %gather3A_437 = tpu.vector_load_idx %gather3A_436[%add3A_384, %and3A_432] : memref<128x128xf32, #tpu.memory_space<vmem>>[vector<16xi32>, vector<16xi32>], vector<16xf32>,
          %gather3A_438 = arith.constant 0 : i32
          %gather3A_439 = arith.constant 0 : i32
          %gather3A_440 = tpu.memref_slice %arg11[%scan3A_351, %gather3A_438, %gather3A_439] : memref<4x128x128xf32, #tpu.memory_space<vmem>> -> memref<1x128x128xf32, #tpu.memory_space<vmem>>
          %gather3A_441 = tpu.memref_squeeze %gather3A_440 : memref<1x128x128xf32, #tpu.memory_space<vmem>> -> memref<128x128xf32, #tpu.memory_space<vmem>>
          %gather3A_442 = tpu.vector_load_idx %gather3A_441[%add3A_384, %and3A_432] : memref<128x128xf32, #tpu.memory_space<vmem>>[vector<16xi32>, vector<16xi32>], vector<16xf32>,
          %mul3A_443 = arith.mulf %gather3A_437, %gather3A_442 : vector<16xf32>
          %add3A_444 = arith.addf %scan3A_405, %mul3A_443 : vector<16xf32>
          %add3A_445 = arith.constant 2 : i32
          %add3A_446 = arith.addi %mul3A_407, %add3A_445 : i32
          %add3A_447 = vector.broadcast %add3A_446 : i32 to vector<16xi32>
          %add3A_448 = arith.addi %iota3A, %add3A_447 : vector<16xi32>
          %and3A_449 = arith.constant 127 : i32
          %and3A_450 = vector.broadcast %and3A_449 : i32 to vector<16xi32>
          %and3A_451 = arith.andi %add3A_448, %and3A_450 : vector<16xi32>
          %gather3A_452 = arith.constant 0 : i32
          %gather3A_453 = arith.constant 0 : i32
          %gather3A_454 = tpu.memref_slice %arg11[%scan3A_350, %gather3A_452, %gather3A_453] : memref<4x128x128xf32, #tpu.memory_space<vmem>> -> memref<1x128x128xf32, #tpu.memory_space<vmem>>
          %gather3A_455 = tpu.memref_squeeze %gather3A_454 : memref<1x128x128xf32, #tpu.memory_space<vmem>> -> memref<128x128xf32, #tpu.memory_space<vmem>>
          %gather3A_456 = tpu.vector_load_idx %gather3A_455[%add3A_384, %and3A_451] : memref<128x128xf32, #tpu.memory_space<vmem>>[vector<16xi32>, vector<16xi32>], vector<16xf32>,
          %gather3A_457 = arith.constant 0 : i32
          %gather3A_458 = arith.constant 0 : i32
          %gather3A_459 = tpu.memref_slice %arg11[%scan3A_351, %gather3A_457, %gather3A_458] : memref<4x128x128xf32, #tpu.memory_space<vmem>> -> memref<1x128x128xf32, #tpu.memory_space<vmem>>
          %gather3A_460 = tpu.memref_squeeze %gather3A_459 : memref<1x128x128xf32, #tpu.memory_space<vmem>> -> memref<128x128xf32, #tpu.memory_space<vmem>>
          %gather3A_461 = tpu.vector_load_idx %gather3A_460[%add3A_384, %and3A_451] : memref<128x128xf32, #tpu.memory_space<vmem>>[vector<16xi32>, vector<16xi32>], vector<16xf32>,
          %mul3A_462 = arith.mulf %gather3A_456, %gather3A_461 : vector<16xf32>
          %add3A_463 = arith.addf %add3A_425, %mul3A_462 : vector<16xf32>
          %add3A_464 = arith.constant 3 : i32
          %add3A_465 = arith.addi %mul3A_407, %add3A_464 : i32
          %add3A_466 = vector.broadcast %add3A_465 : i32 to vector<16xi32>
          %add3A_467 = arith.addi %iota3A, %add3A_466 : vector<16xi32>
          %and3A_468 = arith.constant 127 : i32
          %and3A_469 = vector.broadcast %and3A_468 : i32 to vector<16xi32>
          %and3A_470 = arith.andi %add3A_467, %and3A_469 : vector<16xi32>
          %gather3A_471 = arith.constant 0 : i32
          %gather3A_472 = arith.constant 0 : i32
          %gather3A_473 = tpu.memref_slice %arg11[%scan3A_350, %gather3A_471, %gather3A_472] : memref<4x128x128xf32, #tpu.memory_space<vmem>> -> memref<1x128x128xf32, #tpu.memory_space<vmem>>
          %gather3A_474 = tpu.memref_squeeze %gather3A_473 : memref<1x128x128xf32, #tpu.memory_space<vmem>> -> memref<128x128xf32, #tpu.memory_space<vmem>>
          %gather3A_475 = tpu.vector_load_idx %gather3A_474[%add3A_384, %and3A_470] : memref<128x128xf32, #tpu.memory_space<vmem>>[vector<16xi32>, vector<16xi32>], vector<16xf32>,
          %gather3A_476 = arith.constant 0 : i32
          %gather3A_477 = arith.constant 0 : i32
          %gather3A_478 = tpu.memref_slice %arg11[%scan3A_351, %gather3A_476, %gather3A_477] : memref<4x128x128xf32, #tpu.memory_space<vmem>> -> memref<1x128x128xf32, #tpu.memory_space<vmem>>
          %gather3A_479 = tpu.memref_squeeze %gather3A_478 : memref<1x128x128xf32, #tpu.memory_space<vmem>> -> memref<128x128xf32, #tpu.memory_space<vmem>>
          %gather3A_480 = tpu.vector_load_idx %gather3A_479[%add3A_384, %and3A_470] : memref<128x128xf32, #tpu.memory_space<vmem>>[vector<16xi32>, vector<16xi32>], vector<16xf32>,
          %mul3A_481 = arith.mulf %gather3A_475, %gather3A_480 : vector<16xf32>
          %add3A_482 = arith.addf %add3A_444, %mul3A_481 : vector<16xf32>
          %add3A_483 = arith.constant 4 : i32
          %add3A_484 = arith.addi %mul3A_407, %add3A_483 : i32
          %add3A_485 = vector.broadcast %add3A_484 : i32 to vector<16xi32>
          %add3A_486 = arith.addi %iota3A, %add3A_485 : vector<16xi32>
          %and3A_487 = arith.constant 127 : i32
          %and3A_488 = vector.broadcast %and3A_487 : i32 to vector<16xi32>
          %and3A_489 = arith.andi %add3A_486, %and3A_488 : vector<16xi32>
          %gather3A_490 = arith.constant 0 : i32
          %gather3A_491 = arith.constant 0 : i32
          %gather3A_492 = tpu.memref_slice %arg11[%scan3A_350, %gather3A_490, %gather3A_491] : memref<4x128x128xf32, #tpu.memory_space<vmem>> -> memref<1x128x128xf32, #tpu.memory_space<vmem>>
          %gather3A_493 = tpu.memref_squeeze %gather3A_492 : memref<1x128x128xf32, #tpu.memory_space<vmem>> -> memref<128x128xf32, #tpu.memory_space<vmem>>
          %gather3A_494 = tpu.vector_load_idx %gather3A_493[%add3A_384, %and3A_489] : memref<128x128xf32, #tpu.memory_space<vmem>>[vector<16xi32>, vector<16xi32>], vector<16xf32>,
          %gather3A_495 = arith.constant 0 : i32
          %gather3A_496 = arith.constant 0 : i32
          %gather3A_497 = tpu.memref_slice %arg11[%scan3A_351, %gather3A_495, %gather3A_496] : memref<4x128x128xf32, #tpu.memory_space<vmem>> -> memref<1x128x128xf32, #tpu.memory_space<vmem>>
          %gather3A_498 = tpu.memref_squeeze %gather3A_497 : memref<1x128x128xf32, #tpu.memory_space<vmem>> -> memref<128x128xf32, #tpu.memory_space<vmem>>
          %gather3A_499 = tpu.vector_load_idx %gather3A_498[%add3A_384, %and3A_489] : memref<128x128xf32, #tpu.memory_space<vmem>>[vector<16xi32>, vector<16xi32>], vector<16xf32>,
          %mul3A_500 = arith.mulf %gather3A_494, %gather3A_499 : vector<16xf32>
          %add3A_501 = arith.addf %add3A_463, %mul3A_500 : vector<16xf32>
          %add3A_502 = arith.constant 5 : i32
          %add3A_503 = arith.addi %mul3A_407, %add3A_502 : i32
          %add3A_504 = vector.broadcast %add3A_503 : i32 to vector<16xi32>
          %add3A_505 = arith.addi %iota3A, %add3A_504 : vector<16xi32>
          %and3A_506 = arith.constant 127 : i32
          %and3A_507 = vector.broadcast %and3A_506 : i32 to vector<16xi32>
          %and3A_508 = arith.andi %add3A_505, %and3A_507 : vector<16xi32>
          %gather3A_509 = arith.constant 0 : i32
          %gather3A_510 = arith.constant 0 : i32
          %gather3A_511 = tpu.memref_slice %arg11[%scan3A_350, %gather3A_509, %gather3A_510] : memref<4x128x128xf32, #tpu.memory_space<vmem>> -> memref<1x128x128xf32, #tpu.memory_space<vmem>>
          %gather3A_512 = tpu.memref_squeeze %gather3A_511 : memref<1x128x128xf32, #tpu.memory_space<vmem>> -> memref<128x128xf32, #tpu.memory_space<vmem>>
          %gather3A_513 = tpu.vector_load_idx %gather3A_512[%add3A_384, %and3A_508] : memref<128x128xf32, #tpu.memory_space<vmem>>[vector<16xi32>, vector<16xi32>], vector<16xf32>,
          %gather3A_514 = arith.constant 0 : i32
          %gather3A_515 = arith.constant 0 : i32
          %gather3A_516 = tpu.memref_slice %arg11[%scan3A_351, %gather3A_514, %gather3A_515] : memref<4x128x128xf32, #tpu.memory_space<vmem>> -> memref<1x128x128xf32, #tpu.memory_space<vmem>>
          %gather3A_517 = tpu.memref_squeeze %gather3A_516 : memref<1x128x128xf32, #tpu.memory_space<vmem>> -> memref<128x128xf32, #tpu.memory_space<vmem>>
          %gather3A_518 = tpu.vector_load_idx %gather3A_517[%add3A_384, %and3A_508] : memref<128x128xf32, #tpu.memory_space<vmem>>[vector<16xi32>, vector<16xi32>], vector<16xf32>,
          %mul3A_519 = arith.mulf %gather3A_513, %gather3A_518 : vector<16xf32>
          %add3A_520 = arith.addf %add3A_482, %mul3A_519 : vector<16xf32>
          %add3A_521 = arith.constant 6 : i32
          %add3A_522 = arith.addi %mul3A_407, %add3A_521 : i32
          %add3A_523 = vector.broadcast %add3A_522 : i32 to vector<16xi32>
          %add3A_524 = arith.addi %iota3A, %add3A_523 : vector<16xi32>
          %and3A_525 = arith.constant 127 : i32
          %and3A_526 = vector.broadcast %and3A_525 : i32 to vector<16xi32>
          %and3A_527 = arith.andi %add3A_524, %and3A_526 : vector<16xi32>
          %gather3A_528 = arith.constant 0 : i32
          %gather3A_529 = arith.constant 0 : i32
          %gather3A_530 = tpu.memref_slice %arg11[%scan3A_350, %gather3A_528, %gather3A_529] : memref<4x128x128xf32, #tpu.memory_space<vmem>> -> memref<1x128x128xf32, #tpu.memory_space<vmem>>
          %gather3A_531 = tpu.memref_squeeze %gather3A_530 : memref<1x128x128xf32, #tpu.memory_space<vmem>> -> memref<128x128xf32, #tpu.memory_space<vmem>>
          %gather3A_532 = tpu.vector_load_idx %gather3A_531[%add3A_384, %and3A_527] : memref<128x128xf32, #tpu.memory_space<vmem>>[vector<16xi32>, vector<16xi32>], vector<16xf32>,
          %gather3A_533 = arith.constant 0 : i32
          %gather3A_534 = arith.constant 0 : i32
          %gather3A_535 = tpu.memref_slice %arg11[%scan3A_351, %gather3A_533, %gather3A_534] : memref<4x128x128xf32, #tpu.memory_space<vmem>> -> memref<1x128x128xf32, #tpu.memory_space<vmem>>
          %gather3A_536 = tpu.memref_squeeze %gather3A_535 : memref<1x128x128xf32, #tpu.memory_space<vmem>> -> memref<128x128xf32, #tpu.memory_space<vmem>>
          %gather3A_537 = tpu.vector_load_idx %gather3A_536[%add3A_384, %and3A_527] : memref<128x128xf32, #tpu.memory_space<vmem>>[vector<16xi32>, vector<16xi32>], vector<16xf32>,
          %mul3A_538 = arith.mulf %gather3A_532, %gather3A_537 : vector<16xf32>
          %add3A_539 = arith.addf %add3A_501, %mul3A_538 : vector<16xf32>
          %add3A_540 = arith.constant 7 : i32
          %add3A_541 = arith.addi %mul3A_407, %add3A_540 : i32
          %add3A_542 = vector.broadcast %add3A_541 : i32 to vector<16xi32>
          %add3A_543 = arith.addi %iota3A, %add3A_542 : vector<16xi32>
          %and3A_544 = arith.constant 127 : i32
          %and3A_545 = vector.broadcast %and3A_544 : i32 to vector<16xi32>
          %and3A_546 = arith.andi %add3A_543, %and3A_545 : vector<16xi32>
          %gather3A_547 = arith.constant 0 : i32
          %gather3A_548 = arith.constant 0 : i32
          %gather3A_549 = tpu.memref_slice %arg11[%scan3A_350, %gather3A_547, %gather3A_548] : memref<4x128x128xf32, #tpu.memory_space<vmem>> -> memref<1x128x128xf32, #tpu.memory_space<vmem>>
          %gather3A_550 = tpu.memref_squeeze %gather3A_549 : memref<1x128x128xf32, #tpu.memory_space<vmem>> -> memref<128x128xf32, #tpu.memory_space<vmem>>
          %gather3A_551 = tpu.vector_load_idx %gather3A_550[%add3A_384, %and3A_546] : memref<128x128xf32, #tpu.memory_space<vmem>>[vector<16xi32>, vector<16xi32>], vector<16xf32>,
          %gather3A_552 = arith.constant 0 : i32
          %gather3A_553 = arith.constant 0 : i32
          %gather3A_554 = tpu.memref_slice %arg11[%scan3A_351, %gather3A_552, %gather3A_553] : memref<4x128x128xf32, #tpu.memory_space<vmem>> -> memref<1x128x128xf32, #tpu.memory_space<vmem>>
          %gather3A_555 = tpu.memref_squeeze %gather3A_554 : memref<1x128x128xf32, #tpu.memory_space<vmem>> -> memref<128x128xf32, #tpu.memory_space<vmem>>
          %gather3A_556 = tpu.vector_load_idx %gather3A_555[%add3A_384, %and3A_546] : memref<128x128xf32, #tpu.memory_space<vmem>>[vector<16xi32>, vector<16xi32>], vector<16xf32>,
          %mul3A_557 = arith.mulf %gather3A_551, %gather3A_556 : vector<16xf32>
          %add3A_558 = arith.addf %add3A_520, %mul3A_557 : vector<16xf32>
          %add3A_559 = arith.constant 8 : i32
          %add3A_560 = arith.addi %mul3A_407, %add3A_559 : i32
          %add3A_561 = vector.broadcast %add3A_560 : i32 to vector<16xi32>
          %add3A_562 = arith.addi %iota3A, %add3A_561 : vector<16xi32>
          %and3A_563 = arith.constant 127 : i32
          %and3A_564 = vector.broadcast %and3A_563 : i32 to vector<16xi32>
          %and3A_565 = arith.andi %add3A_562, %and3A_564 : vector<16xi32>
          %gather3A_566 = arith.constant 0 : i32
          %gather3A_567 = arith.constant 0 : i32
          %gather3A_568 = tpu.memref_slice %arg11[%scan3A_350, %gather3A_566, %gather3A_567] : memref<4x128x128xf32, #tpu.memory_space<vmem>> -> memref<1x128x128xf32, #tpu.memory_space<vmem>>
          %gather3A_569 = tpu.memref_squeeze %gather3A_568 : memref<1x128x128xf32, #tpu.memory_space<vmem>> -> memref<128x128xf32, #tpu.memory_space<vmem>>
          %gather3A_570 = tpu.vector_load_idx %gather3A_569[%add3A_384, %and3A_565] : memref<128x128xf32, #tpu.memory_space<vmem>>[vector<16xi32>, vector<16xi32>], vector<16xf32>,
          %gather3A_571 = arith.constant 0 : i32
          %gather3A_572 = arith.constant 0 : i32
          %gather3A_573 = tpu.memref_slice %arg11[%scan3A_351, %gather3A_571, %gather3A_572] : memref<4x128x128xf32, #tpu.memory_space<vmem>> -> memref<1x128x128xf32, #tpu.memory_space<vmem>>
          %gather3A_574 = tpu.memref_squeeze %gather3A_573 : memref<1x128x128xf32, #tpu.memory_space<vmem>> -> memref<128x128xf32, #tpu.memory_space<vmem>>
          %gather3A_575 = tpu.vector_load_idx %gather3A_574[%add3A_384, %and3A_565] : memref<128x128xf32, #tpu.memory_space<vmem>>[vector<16xi32>, vector<16xi32>], vector<16xf32>,
          %mul3A_576 = arith.mulf %gather3A_570, %gather3A_575 : vector<16xf32>
          %add3A_577 = arith.addf %add3A_539, %mul3A_576 : vector<16xf32>
          %add3A_578 = arith.constant 9 : i32
          %add3A_579 = arith.addi %mul3A_407, %add3A_578 : i32
          %add3A_580 = vector.broadcast %add3A_579 : i32 to vector<16xi32>
          %add3A_581 = arith.addi %iota3A, %add3A_580 : vector<16xi32>
          %and3A_582 = arith.constant 127 : i32
          %and3A_583 = vector.broadcast %and3A_582 : i32 to vector<16xi32>
          %and3A_584 = arith.andi %add3A_581, %and3A_583 : vector<16xi32>
          %gather3A_585 = arith.constant 0 : i32
          %gather3A_586 = arith.constant 0 : i32
          %gather3A_587 = tpu.memref_slice %arg11[%scan3A_350, %gather3A_585, %gather3A_586] : memref<4x128x128xf32, #tpu.memory_space<vmem>> -> memref<1x128x128xf32, #tpu.memory_space<vmem>>
          %gather3A_588 = tpu.memref_squeeze %gather3A_587 : memref<1x128x128xf32, #tpu.memory_space<vmem>> -> memref<128x128xf32, #tpu.memory_space<vmem>>
          %gather3A_589 = tpu.vector_load_idx %gather3A_588[%add3A_384, %and3A_584] : memref<128x128xf32, #tpu.memory_space<vmem>>[vector<16xi32>, vector<16xi32>], vector<16xf32>,
          %gather3A_590 = arith.constant 0 : i32
          %gather3A_591 = arith.constant 0 : i32
          %gather3A_592 = tpu.memref_slice %arg11[%scan3A_351, %gather3A_590, %gather3A_591] : memref<4x128x128xf32, #tpu.memory_space<vmem>> -> memref<1x128x128xf32, #tpu.memory_space<vmem>>
          %gather3A_593 = tpu.memref_squeeze %gather3A_592 : memref<1x128x128xf32, #tpu.memory_space<vmem>> -> memref<128x128xf32, #tpu.memory_space<vmem>>
          %gather3A_594 = tpu.vector_load_idx %gather3A_593[%add3A_384, %and3A_584] : memref<128x128xf32, #tpu.memory_space<vmem>>[vector<16xi32>, vector<16xi32>], vector<16xf32>,
          %mul3A_595 = arith.mulf %gather3A_589, %gather3A_594 : vector<16xf32>
          %add3A_596 = arith.addf %add3A_558, %mul3A_595 : vector<16xf32>
          %add3A_597 = arith.constant 10 : i32
          %add3A_598 = arith.addi %mul3A_407, %add3A_597 : i32
          %add3A_599 = vector.broadcast %add3A_598 : i32 to vector<16xi32>
          %add3A_600 = arith.addi %iota3A, %add3A_599 : vector<16xi32>
          %and3A_601 = arith.constant 127 : i32
          %and3A_602 = vector.broadcast %and3A_601 : i32 to vector<16xi32>
          %and3A_603 = arith.andi %add3A_600, %and3A_602 : vector<16xi32>
          %gather3A_604 = arith.constant 0 : i32
          %gather3A_605 = arith.constant 0 : i32
          %gather3A_606 = tpu.memref_slice %arg11[%scan3A_350, %gather3A_604, %gather3A_605] : memref<4x128x128xf32, #tpu.memory_space<vmem>> -> memref<1x128x128xf32, #tpu.memory_space<vmem>>
          %gather3A_607 = tpu.memref_squeeze %gather3A_606 : memref<1x128x128xf32, #tpu.memory_space<vmem>> -> memref<128x128xf32, #tpu.memory_space<vmem>>
          %gather3A_608 = tpu.vector_load_idx %gather3A_607[%add3A_384, %and3A_603] : memref<128x128xf32, #tpu.memory_space<vmem>>[vector<16xi32>, vector<16xi32>], vector<16xf32>,
          %gather3A_609 = arith.constant 0 : i32
          %gather3A_610 = arith.constant 0 : i32
          %gather3A_611 = tpu.memref_slice %arg11[%scan3A_351, %gather3A_609, %gather3A_610] : memref<4x128x128xf32, #tpu.memory_space<vmem>> -> memref<1x128x128xf32, #tpu.memory_space<vmem>>
          %gather3A_612 = tpu.memref_squeeze %gather3A_611 : memref<1x128x128xf32, #tpu.memory_space<vmem>> -> memref<128x128xf32, #tpu.memory_space<vmem>>
          %gather3A_613 = tpu.vector_load_idx %gather3A_612[%add3A_384, %and3A_603] : memref<128x128xf32, #tpu.memory_space<vmem>>[vector<16xi32>, vector<16xi32>], vector<16xf32>,
          %mul3A_614 = arith.mulf %gather3A_608, %gather3A_613 : vector<16xf32>
          %add3A_615 = arith.addf %add3A_577, %mul3A_614 : vector<16xf32>
          %add3A_616 = arith.constant 11 : i32
          %add3A_617 = arith.addi %mul3A_407, %add3A_616 : i32
          %add3A_618 = vector.broadcast %add3A_617 : i32 to vector<16xi32>
          %add3A_619 = arith.addi %iota3A, %add3A_618 : vector<16xi32>
          %and3A_620 = arith.constant 127 : i32
          %and3A_621 = vector.broadcast %and3A_620 : i32 to vector<16xi32>
          %and3A_622 = arith.andi %add3A_619, %and3A_621 : vector<16xi32>
          %gather3A_623 = arith.constant 0 : i32
          %gather3A_624 = arith.constant 0 : i32
          %gather3A_625 = tpu.memref_slice %arg11[%scan3A_350, %gather3A_623, %gather3A_624] : memref<4x128x128xf32, #tpu.memory_space<vmem>> -> memref<1x128x128xf32, #tpu.memory_space<vmem>>
          %gather3A_626 = tpu.memref_squeeze %gather3A_625 : memref<1x128x128xf32, #tpu.memory_space<vmem>> -> memref<128x128xf32, #tpu.memory_space<vmem>>
          %gather3A_627 = tpu.vector_load_idx %gather3A_626[%add3A_384, %and3A_622] : memref<128x128xf32, #tpu.memory_space<vmem>>[vector<16xi32>, vector<16xi32>], vector<16xf32>,
          %gather3A_628 = arith.constant 0 : i32
          %gather3A_629 = arith.constant 0 : i32
          %gather3A_630 = tpu.memref_slice %arg11[%scan3A_351, %gather3A_628, %gather3A_629] : memref<4x128x128xf32, #tpu.memory_space<vmem>> -> memref<1x128x128xf32, #tpu.memory_space<vmem>>
          %gather3A_631 = tpu.memref_squeeze %gather3A_630 : memref<1x128x128xf32, #tpu.memory_space<vmem>> -> memref<128x128xf32, #tpu.memory_space<vmem>>
          %gather3A_632 = tpu.vector_load_idx %gather3A_631[%add3A_384, %and3A_622] : memref<128x128xf32, #tpu.memory_space<vmem>>[vector<16xi32>, vector<16xi32>], vector<16xf32>,
          %mul3A_633 = arith.mulf %gather3A_627, %gather3A_632 : vector<16xf32>
          %add3A_634 = arith.addf %add3A_596, %mul3A_633 : vector<16xf32>
          %add3A_635 = arith.constant 12 : i32
          %add3A_636 = arith.addi %mul3A_407, %add3A_635 : i32
          %add3A_637 = vector.broadcast %add3A_636 : i32 to vector<16xi32>
          %add3A_638 = arith.addi %iota3A, %add3A_637 : vector<16xi32>
          %and3A_639 = arith.constant 127 : i32
          %and3A_640 = vector.broadcast %and3A_639 : i32 to vector<16xi32>
          %and3A_641 = arith.andi %add3A_638, %and3A_640 : vector<16xi32>
          %gather3A_642 = arith.constant 0 : i32
          %gather3A_643 = arith.constant 0 : i32
          %gather3A_644 = tpu.memref_slice %arg11[%scan3A_350, %gather3A_642, %gather3A_643] : memref<4x128x128xf32, #tpu.memory_space<vmem>> -> memref<1x128x128xf32, #tpu.memory_space<vmem>>
          %gather3A_645 = tpu.memref_squeeze %gather3A_644 : memref<1x128x128xf32, #tpu.memory_space<vmem>> -> memref<128x128xf32, #tpu.memory_space<vmem>>
          %gather3A_646 = tpu.vector_load_idx %gather3A_645[%add3A_384, %and3A_641] : memref<128x128xf32, #tpu.memory_space<vmem>>[vector<16xi32>, vector<16xi32>], vector<16xf32>,
          %gather3A_647 = arith.constant 0 : i32
          %gather3A_648 = arith.constant 0 : i32
          %gather3A_649 = tpu.memref_slice %arg11[%scan3A_351, %gather3A_647, %gather3A_648] : memref<4x128x128xf32, #tpu.memory_space<vmem>> -> memref<1x128x128xf32, #tpu.memory_space<vmem>>
          %gather3A_650 = tpu.memref_squeeze %gather3A_649 : memref<1x128x128xf32, #tpu.memory_space<vmem>> -> memref<128x128xf32, #tpu.memory_space<vmem>>
          %gather3A_651 = tpu.vector_load_idx %gather3A_650[%add3A_384, %and3A_641] : memref<128x128xf32, #tpu.memory_space<vmem>>[vector<16xi32>, vector<16xi32>], vector<16xf32>,
          %mul3A_652 = arith.mulf %gather3A_646, %gather3A_651 : vector<16xf32>
          %add3A_653 = arith.addf %add3A_615, %mul3A_652 : vector<16xf32>
          %add3A_654 = arith.constant 13 : i32
          %add3A_655 = arith.addi %mul3A_407, %add3A_654 : i32
          %add3A_656 = vector.broadcast %add3A_655 : i32 to vector<16xi32>
          %add3A_657 = arith.addi %iota3A, %add3A_656 : vector<16xi32>
          %and3A_658 = arith.constant 127 : i32
          %and3A_659 = vector.broadcast %and3A_658 : i32 to vector<16xi32>
          %and3A_660 = arith.andi %add3A_657, %and3A_659 : vector<16xi32>
          %gather3A_661 = arith.constant 0 : i32
          %gather3A_662 = arith.constant 0 : i32
          %gather3A_663 = tpu.memref_slice %arg11[%scan3A_350, %gather3A_661, %gather3A_662] : memref<4x128x128xf32, #tpu.memory_space<vmem>> -> memref<1x128x128xf32, #tpu.memory_space<vmem>>
          %gather3A_664 = tpu.memref_squeeze %gather3A_663 : memref<1x128x128xf32, #tpu.memory_space<vmem>> -> memref<128x128xf32, #tpu.memory_space<vmem>>
          %gather3A_665 = tpu.vector_load_idx %gather3A_664[%add3A_384, %and3A_660] : memref<128x128xf32, #tpu.memory_space<vmem>>[vector<16xi32>, vector<16xi32>], vector<16xf32>,
          %gather3A_666 = arith.constant 0 : i32
          %gather3A_667 = arith.constant 0 : i32
          %gather3A_668 = tpu.memref_slice %arg11[%scan3A_351, %gather3A_666, %gather3A_667] : memref<4x128x128xf32, #tpu.memory_space<vmem>> -> memref<1x128x128xf32, #tpu.memory_space<vmem>>
          %gather3A_669 = tpu.memref_squeeze %gather3A_668 : memref<1x128x128xf32, #tpu.memory_space<vmem>> -> memref<128x128xf32, #tpu.memory_space<vmem>>
          %gather3A_670 = tpu.vector_load_idx %gather3A_669[%add3A_384, %and3A_660] : memref<128x128xf32, #tpu.memory_space<vmem>>[vector<16xi32>, vector<16xi32>], vector<16xf32>,
          %mul3A_671 = arith.mulf %gather3A_665, %gather3A_670 : vector<16xf32>
          %add3A_672 = arith.addf %add3A_634, %mul3A_671 : vector<16xf32>
          %add3A_673 = arith.constant 14 : i32
          %add3A_674 = arith.addi %mul3A_407, %add3A_673 : i32
          %add3A_675 = vector.broadcast %add3A_674 : i32 to vector<16xi32>
          %add3A_676 = arith.addi %iota3A, %add3A_675 : vector<16xi32>
          %and3A_677 = arith.constant 127 : i32
          %and3A_678 = vector.broadcast %and3A_677 : i32 to vector<16xi32>
          %and3A_679 = arith.andi %add3A_676, %and3A_678 : vector<16xi32>
          %gather3A_680 = arith.constant 0 : i32
          %gather3A_681 = arith.constant 0 : i32
          %gather3A_682 = tpu.memref_slice %arg11[%scan3A_350, %gather3A_680, %gather3A_681] : memref<4x128x128xf32, #tpu.memory_space<vmem>> -> memref<1x128x128xf32, #tpu.memory_space<vmem>>
          %gather3A_683 = tpu.memref_squeeze %gather3A_682 : memref<1x128x128xf32, #tpu.memory_space<vmem>> -> memref<128x128xf32, #tpu.memory_space<vmem>>
          %gather3A_684 = tpu.vector_load_idx %gather3A_683[%add3A_384, %and3A_679] : memref<128x128xf32, #tpu.memory_space<vmem>>[vector<16xi32>, vector<16xi32>], vector<16xf32>,
          %gather3A_685 = arith.constant 0 : i32
          %gather3A_686 = arith.constant 0 : i32
          %gather3A_687 = tpu.memref_slice %arg11[%scan3A_351, %gather3A_685, %gather3A_686] : memref<4x128x128xf32, #tpu.memory_space<vmem>> -> memref<1x128x128xf32, #tpu.memory_space<vmem>>
          %gather3A_688 = tpu.memref_squeeze %gather3A_687 : memref<1x128x128xf32, #tpu.memory_space<vmem>> -> memref<128x128xf32, #tpu.memory_space<vmem>>
          %gather3A_689 = tpu.vector_load_idx %gather3A_688[%add3A_384, %and3A_679] : memref<128x128xf32, #tpu.memory_space<vmem>>[vector<16xi32>, vector<16xi32>], vector<16xf32>,
          %mul3A_690 = arith.mulf %gather3A_684, %gather3A_689 : vector<16xf32>
          %add3A_691 = arith.addf %add3A_653, %mul3A_690 : vector<16xf32>
          %add3A_692 = arith.constant 15 : i32
          %add3A_693 = arith.addi %mul3A_407, %add3A_692 : i32
          %add3A_694 = vector.broadcast %add3A_693 : i32 to vector<16xi32>
          %add3A_695 = arith.addi %iota3A, %add3A_694 : vector<16xi32>
          %and3A_696 = arith.constant 127 : i32
          %and3A_697 = vector.broadcast %and3A_696 : i32 to vector<16xi32>
          %and3A_698 = arith.andi %add3A_695, %and3A_697 : vector<16xi32>
          %gather3A_699 = arith.constant 0 : i32
          %gather3A_700 = arith.constant 0 : i32
          %gather3A_701 = tpu.memref_slice %arg11[%scan3A_350, %gather3A_699, %gather3A_700] : memref<4x128x128xf32, #tpu.memory_space<vmem>> -> memref<1x128x128xf32, #tpu.memory_space<vmem>>
          %gather3A_702 = tpu.memref_squeeze %gather3A_701 : memref<1x128x128xf32, #tpu.memory_space<vmem>> -> memref<128x128xf32, #tpu.memory_space<vmem>>
          %gather3A_703 = tpu.vector_load_idx %gather3A_702[%add3A_384, %and3A_698] : memref<128x128xf32, #tpu.memory_space<vmem>>[vector<16xi32>, vector<16xi32>], vector<16xf32>,
          %gather3A_704 = arith.constant 0 : i32
          %gather3A_705 = arith.constant 0 : i32
          %gather3A_706 = tpu.memref_slice %arg11[%scan3A_351, %gather3A_704, %gather3A_705] : memref<4x128x128xf32, #tpu.memory_space<vmem>> -> memref<1x128x128xf32, #tpu.memory_space<vmem>>
          %gather3A_707 = tpu.memref_squeeze %gather3A_706 : memref<1x128x128xf32, #tpu.memory_space<vmem>> -> memref<128x128xf32, #tpu.memory_space<vmem>>
          %gather3A_708 = tpu.vector_load_idx %gather3A_707[%add3A_384, %and3A_698] : memref<128x128xf32, #tpu.memory_space<vmem>>[vector<16xi32>, vector<16xi32>], vector<16xf32>,
          %mul3A_709 = arith.mulf %gather3A_703, %gather3A_708 : vector<16xf32>
          %add3A_710 = arith.addf %add3A_672, %mul3A_709 : vector<16xf32>
          scf.yield %add3A_691, %add3A_710 : vector<16xf32>, vector<16xf32>
        }
        %scan3A_392 = arith.constant 8 : i32
        %mul3A_393 = arith.constant 128 : i32
        %mul3A_394 = arith.muli %add3A_309, %mul3A_393 : i32
        %add3A_395 = vector.broadcast %mul3A_394 : i32 to vector<16xi32>
        %add3A_396 = arith.addi %add3A_384, %add3A_395 : vector<16xi32>
        %gather3A = tpu.vector_load_idx %arg12[%broadcast_in_dim3A_183, %add3A_396] : memref<4x512xf32, #tpu.memory_space<vmem>>[vector<16xi32>, vector<16xi32>], vector<16xf32>,
        %gather3A_397 = tpu.vector_load_idx %arg12[%broadcast_in_dim3A_185, %add3A_396] : memref<4x512xf32, #tpu.memory_space<vmem>>[vector<16xi32>, vector<16xi32>], vector<16xf32>,
        %gather3A_398 = tpu.vector_load_idx %arg12[%broadcast_in_dim3A_187, %add3A_396] : memref<4x512xf32, #tpu.memory_space<vmem>>[vector<16xi32>, vector<16xi32>], vector<16xf32>,
        %add3A_399 = arith.addf %scan3A_391#0, %scan3A_391#1 : vector<16xf32>
        %add3A_400 = arith.addf %add3A_399, %gather3A : vector<16xf32>
        %add3A_401 = arith.addf %add3A_400, %gather3A_397 : vector<16xf32>
        %add3A_402 = arith.addf %add3A_401, %gather3A_398 : vector<16xf32>
        tpu.vector_store_idx %arg12[%broadcast_in_dim3A_189, %add3A_396], %add3A_402 : memref<4x512xf32, #tpu.memory_space<vmem>>[vector<16xi32>, vector<16xi32>], vector<16xf32>,
      }
      %scan3A_356 = arith.constant 8 : i32
      %mul3A_357 = arith.constant 128 : i32
      %mul3A_358 = arith.muli %add3A_309, %mul3A_357 : i32
      %mul3A_359 = arith.constant 128 : i32
      %mul3A_360 = arith.muli %add3A_309, %mul3A_359 : i32
      %add3A_361 = arith.addi %mul3A_2, %mul3A_360 : i32
      %dma_start3A_362 = arith.constant 3 : i32
      %dma_start3A_363 = tpu.memref_slice %arg12[%dma_start3A_362, %mul3A_358] : memref<4x512xf32, #tpu.memory_space<vmem>> -> memref<1x128xf32, #tpu.memory_space<vmem>>
      %dma_start3A_364 = tpu.memref_squeeze %dma_start3A_363 : memref<1x128xf32, #tpu.memory_space<vmem>> -> memref<128xf32, #tpu.memory_space<vmem>>
      %dma_start3A_365 = tpu.memref_slice %arg9[%add3A_361] : memref<16384xf32, #tpu.memory_space<hbm>> -> memref<128xf32, #tpu.memory_space<hbm>>
      %dma_start3A_366 = tpu.memref_slice %arg9[%add3A_361] : memref<16384xf32, #tpu.memory_space<hbm>> -> memref<128xf32, #tpu.memory_space<hbm>>
      %dma_start3A_367 = tpu.memref_slice %arg12[%dma_start3A_362, %mul3A_358] : memref<4x512xf32, #tpu.memory_space<vmem>> -> memref<1x128xf32, #tpu.memory_space<vmem>>
      %dma_start3A_368 = tpu.memref_squeeze %dma_start3A_367 : memref<1x128xf32, #tpu.memory_space<vmem>> -> memref<128xf32, #tpu.memory_space<vmem>>
      tpu.enqueue_dma source(%dma_start3A_368 : memref<128xf32, #tpu.memory_space<vmem>>) target(%dma_start3A_366 : memref<128xf32, #tpu.memory_space<hbm>>) target_semaphore(%arg16 : memref<!tpu.dma_semaphore, #tpu.memory_space<semaphore_mem>>)
      %add3A_369 = arith.constant 2 : i32
      %add3A_370 = arith.addi %add3A_309, %add3A_369 : i32
      %lt3A_371 = arith.constant 4 : i32
      %lt3A_372 = arith.cmpi slt, %add3A_370, %lt3A_371 : i32
      %convert_element_type3A_373 = arith.extui %lt3A_372 : i1 to i32
      %cond3A_374 = arith.constant 0 : i32
      %cond3A_375 = arith.cmpi ne, %convert_element_type3A_373, %cond3A_374 : i32
      scf.if %cond3A_375 {
        %add3A_376 = arith.constant 2 : i32
        %add3A_377 = arith.addi %add3A_309, %add3A_376 : i32
        %mul3A_378 = arith.constant 128 : i32
        %mul3A_379 = arith.muli %add3A_377, %mul3A_378 : i32
        %dma_start3A_380 = arith.constant 0 : i32
        %dma_start3A_381 = arith.constant 2 : i32
        %dma_start3A_382 = arith.constant 0 : i32
        %dma_start3A_383 = arith.constant 0 : i32
        %dma_start3A_384 = tpu.memref_slice %arg11[%dma_start3A_381, %dma_start3A_382, %dma_start3A_383] : memref<4x128x128xf32, #tpu.memory_space<vmem>> -> memref<1x128x128xf32, #tpu.memory_space<vmem>>
        %dma_start3A_385 = tpu.memref_squeeze %dma_start3A_384 : memref<1x128x128xf32, #tpu.memory_space<vmem>> -> memref<128x128xf32, #tpu.memory_space<vmem>>
        %dma_start3A_386 = tpu.memref_slice %arg10[%dma_start3A_380, %mul3A_379] : memref<2x512xi32, #tpu.memory_space<vmem>> -> memref<1x128xi32, #tpu.memory_space<vmem>>
        %dma_start3A_387 = tpu.memref_squeeze %dma_start3A_386 : memref<1x128xi32, #tpu.memory_space<vmem>> -> memref<128xi32, #tpu.memory_space<vmem>>
        %dma_start3A_388 = arith.constant 0 : i32
        %dma_start3A_389 = arith.constant 0 : i32
        %dma_start3A_390 = tpu.memref_slice %arg5[%dma_start3A_388, %dma_start3A_389] : memref<100000x128xf32, #tpu.memory_space<hbm>> -> memref<100000x128xf32, #tpu.memory_space<hbm>>
        tpu.enqueue_indirect_dma source(%dma_start3A_390 : memref<100000x128xf32, #tpu.memory_space<hbm>>) target(%dma_start3A_385 : memref<128x128xf32, #tpu.memory_space<vmem>>) offsets(%dma_start3A_387 : memref<128xi32, #tpu.memory_space<vmem>>) semaphore(%arg14 : memref<!tpu.dma_semaphore, #tpu.memory_space<semaphore_mem>>)
        %dma_start3A_391 = arith.constant 1 : i32
        %dma_start3A_392 = arith.constant 3 : i32
        %dma_start3A_393 = arith.constant 0 : i32
        %dma_start3A_394 = arith.constant 0 : i32
        %dma_start3A_395 = tpu.memref_slice %arg11[%dma_start3A_392, %dma_start3A_393, %dma_start3A_394] : memref<4x128x128xf32, #tpu.memory_space<vmem>> -> memref<1x128x128xf32, #tpu.memory_space<vmem>>
        %dma_start3A_396 = tpu.memref_squeeze %dma_start3A_395 : memref<1x128x128xf32, #tpu.memory_space<vmem>> -> memref<128x128xf32, #tpu.memory_space<vmem>>
        %dma_start3A_397 = tpu.memref_slice %arg10[%dma_start3A_391, %mul3A_379] : memref<2x512xi32, #tpu.memory_space<vmem>> -> memref<1x128xi32, #tpu.memory_space<vmem>>
        %dma_start3A_398 = tpu.memref_squeeze %dma_start3A_397 : memref<1x128xi32, #tpu.memory_space<vmem>> -> memref<128xi32, #tpu.memory_space<vmem>>
        %dma_start3A_399 = arith.constant 0 : i32
        %dma_start3A_400 = arith.constant 0 : i32
        %dma_start3A_401 = tpu.memref_slice %arg6[%dma_start3A_399, %dma_start3A_400] : memref<100000x128xf32, #tpu.memory_space<hbm>> -> memref<100000x128xf32, #tpu.memory_space<hbm>>
        tpu.enqueue_indirect_dma source(%dma_start3A_401 : memref<100000x128xf32, #tpu.memory_space<hbm>>) target(%dma_start3A_396 : memref<128x128xf32, #tpu.memory_space<vmem>>) offsets(%dma_start3A_398 : memref<128xi32, #tpu.memory_space<vmem>>) semaphore(%arg14 : memref<!tpu.dma_semaphore, #tpu.memory_space<semaphore_mem>>)
        %dma_start3A_402 = arith.constant 0 : i32
        %dma_start3A_403 = arith.constant 0 : i32
        %dma_start3A_404 = tpu.memref_slice %arg12[%dma_start3A_403, %mul3A_379] : memref<4x512xf32, #tpu.memory_space<vmem>> -> memref<1x128xf32, #tpu.memory_space<vmem>>
        %dma_start3A_405 = tpu.memref_squeeze %dma_start3A_404 : memref<1x128xf32, #tpu.memory_space<vmem>> -> memref<128xf32, #tpu.memory_space<vmem>>
        %dma_start3A_406 = tpu.memref_slice %arg10[%dma_start3A_402, %mul3A_379] : memref<2x512xi32, #tpu.memory_space<vmem>> -> memref<1x128xi32, #tpu.memory_space<vmem>>
        %dma_start3A_407 = tpu.memref_squeeze %dma_start3A_406 : memref<1x128xi32, #tpu.memory_space<vmem>> -> memref<128xi32, #tpu.memory_space<vmem>>
        %dma_start3A_408 = arith.constant 0 : i32
        %dma_start3A_409 = tpu.memref_slice %arg7[%dma_start3A_408] : memref<100352xf32, #tpu.memory_space<hbm>> -> memref<100352xf32, #tpu.memory_space<hbm>>
        tpu.enqueue_indirect_dma source(%dma_start3A_409 : memref<100352xf32, #tpu.memory_space<hbm>>) target(%dma_start3A_405 : memref<128xf32, #tpu.memory_space<vmem>>) offsets(%dma_start3A_407 : memref<128xi32, #tpu.memory_space<vmem>>) semaphore(%arg14 : memref<!tpu.dma_semaphore, #tpu.memory_space<semaphore_mem>>)
        %dma_start3A_410 = arith.constant 1 : i32
        %dma_start3A_411 = arith.constant 1 : i32
        %dma_start3A_412 = tpu.memref_slice %arg12[%dma_start3A_411, %mul3A_379] : memref<4x512xf32, #tpu.memory_space<vmem>> -> memref<1x128xf32, #tpu.memory_space<vmem>>
        %dma_start3A_413 = tpu.memref_squeeze %dma_start3A_412 : memref<1x128xf32, #tpu.memory_space<vmem>> -> memref<128xf32, #tpu.memory_space<vmem>>
        %dma_start3A_414 = tpu.memref_slice %arg10[%dma_start3A_410, %mul3A_379] : memref<2x512xi32, #tpu.memory_space<vmem>> -> memref<1x128xi32, #tpu.memory_space<vmem>>
        %dma_start3A_415 = tpu.memref_squeeze %dma_start3A_414 : memref<1x128xi32, #tpu.memory_space<vmem>> -> memref<128xi32, #tpu.memory_space<vmem>>
        %dma_start3A_416 = arith.constant 0 : i32
        %dma_start3A_417 = tpu.memref_slice %arg8[%dma_start3A_416] : memref<100352xf32, #tpu.memory_space<hbm>> -> memref<100352xf32, #tpu.memory_space<hbm>>
        tpu.enqueue_indirect_dma source(%dma_start3A_417 : memref<100352xf32, #tpu.memory_space<hbm>>) target(%dma_start3A_413 : memref<128xf32, #tpu.memory_space<vmem>>) offsets(%dma_start3A_415 : memref<128xi32, #tpu.memory_space<vmem>>) semaphore(%arg14 : memref<!tpu.dma_semaphore, #tpu.memory_space<semaphore_mem>>)
      } else {
      }
    }
    %scan3A_193 = arith.constant 2 : i32
    %add3A_194 = arith.constant 0 : i32
    %add3A_195 = arith.addi %mul3A_2, %add3A_194 : i32
    %dma_wait3A_196 = arith.constant 3 : i32
    %dma_wait3A_197 = arith.constant 0 : i32
    %dma_wait3A_198 = tpu.memref_slice %arg12[%dma_wait3A_196, %dma_wait3A_197] : memref<4x512xf32, #tpu.memory_space<vmem>> -> memref<1x128xf32, #tpu.memory_space<vmem>>
    %dma_wait3A_199 = tpu.memref_squeeze %dma_wait3A_198 : memref<1x128xf32, #tpu.memory_space<vmem>> -> memref<128xf32, #tpu.memory_space<vmem>>
    %dma_wait3A_200 = tpu.memref_slice %arg9[%add3A_195] : memref<16384xf32, #tpu.memory_space<hbm>> -> memref<128xf32, #tpu.memory_space<hbm>>
    %dma_wait3A_201 = tpu.memref_slice %arg9[%add3A_195] : memref<16384xf32, #tpu.memory_space<hbm>> -> memref<128xf32, #tpu.memory_space<hbm>>
    %dma_wait3A_202 = arith.constant 0 : i32
    %dma_wait3A_203 = tpu.memref_slice %arg12[%dma_wait3A_196, %dma_wait3A_202] : memref<4x512xf32, #tpu.memory_space<vmem>> -> memref<1x128xf32, #tpu.memory_space<vmem>>
    %dma_wait3A_204 = tpu.memref_squeeze %dma_wait3A_203 : memref<1x128xf32, #tpu.memory_space<vmem>> -> memref<128xf32, #tpu.memory_space<vmem>>
    tpu.wait_dma2 semaphore(%arg16 : memref<!tpu.dma_semaphore, #tpu.memory_space<semaphore_mem>>) src(%dma_wait3A_204 : memref<128xf32, #tpu.memory_space<vmem>>) dst(%dma_wait3A_201 : memref<128xf32, #tpu.memory_space<hbm>>)
    %add3A_205 = arith.constant 128 : i32
    %add3A_206 = arith.addi %mul3A_2, %add3A_205 : i32
    %dma_wait3A_207 = arith.constant 3 : i32
    %dma_wait3A_208 = arith.constant 128 : i32
    %dma_wait3A_209 = tpu.memref_slice %arg12[%dma_wait3A_207, %dma_wait3A_208] : memref<4x512xf32, #tpu.memory_space<vmem>> -> memref<1x128xf32, #tpu.memory_space<vmem>>
    %dma_wait3A_210 = tpu.memref_squeeze %dma_wait3A_209 : memref<1x128xf32, #tpu.memory_space<vmem>> -> memref<128xf32, #tpu.memory_space<vmem>>
    %dma_wait3A_211 = tpu.memref_slice %arg9[%add3A_206] : memref<16384xf32, #tpu.memory_space<hbm>> -> memref<128xf32, #tpu.memory_space<hbm>>
    %dma_wait3A_212 = tpu.memref_slice %arg9[%add3A_206] : memref<16384xf32, #tpu.memory_space<hbm>> -> memref<128xf32, #tpu.memory_space<hbm>>
    %dma_wait3A_213 = arith.constant 128 : i32
    %dma_wait3A_214 = tpu.memref_slice %arg12[%dma_wait3A_207, %dma_wait3A_213] : memref<4x512xf32, #tpu.memory_space<vmem>> -> memref<1x128xf32, #tpu.memory_space<vmem>>
    %dma_wait3A_215 = tpu.memref_squeeze %dma_wait3A_214 : memref<1x128xf32, #tpu.memory_space<vmem>> -> memref<128xf32, #tpu.memory_space<vmem>>
    tpu.wait_dma2 semaphore(%arg16 : memref<!tpu.dma_semaphore, #tpu.memory_space<semaphore_mem>>) src(%dma_wait3A_215 : memref<128xf32, #tpu.memory_space<vmem>>) dst(%dma_wait3A_212 : memref<128xf32, #tpu.memory_space<hbm>>)
    %add3A_216 = arith.constant 256 : i32
    %add3A_217 = arith.addi %mul3A_2, %add3A_216 : i32
    %dma_wait3A_218 = arith.constant 3 : i32
    %dma_wait3A_219 = arith.constant 256 : i32
    %dma_wait3A_220 = tpu.memref_slice %arg12[%dma_wait3A_218, %dma_wait3A_219] : memref<4x512xf32, #tpu.memory_space<vmem>> -> memref<1x128xf32, #tpu.memory_space<vmem>>
    %dma_wait3A_221 = tpu.memref_squeeze %dma_wait3A_220 : memref<1x128xf32, #tpu.memory_space<vmem>> -> memref<128xf32, #tpu.memory_space<vmem>>
    %dma_wait3A_222 = tpu.memref_slice %arg9[%add3A_217] : memref<16384xf32, #tpu.memory_space<hbm>> -> memref<128xf32, #tpu.memory_space<hbm>>
    %dma_wait3A_223 = tpu.memref_slice %arg9[%add3A_217] : memref<16384xf32, #tpu.memory_space<hbm>> -> memref<128xf32, #tpu.memory_space<hbm>>
    %dma_wait3A_224 = arith.constant 256 : i32
    %dma_wait3A_225 = tpu.memref_slice %arg12[%dma_wait3A_218, %dma_wait3A_224] : memref<4x512xf32, #tpu.memory_space<vmem>> -> memref<1x128xf32, #tpu.memory_space<vmem>>
    %dma_wait3A_226 = tpu.memref_squeeze %dma_wait3A_225 : memref<1x128xf32, #tpu.memory_space<vmem>> -> memref<128xf32, #tpu.memory_space<vmem>>
    tpu.wait_dma2 semaphore(%arg16 : memref<!tpu.dma_semaphore, #tpu.memory_space<semaphore_mem>>) src(%dma_wait3A_226 : memref<128xf32, #tpu.memory_space<vmem>>) dst(%dma_wait3A_223 : memref<128xf32, #tpu.memory_space<hbm>>)
    %add3A_227 = arith.constant 384 : i32
    %add3A_228 = arith.addi %mul3A_2, %add3A_227 : i32
    %dma_wait3A_229 = arith.constant 3 : i32
    %dma_wait3A_230 = arith.constant 384 : i32
    %dma_wait3A_231 = tpu.memref_slice %arg12[%dma_wait3A_229, %dma_wait3A_230] : memref<4x512xf32, #tpu.memory_space<vmem>> -> memref<1x128xf32, #tpu.memory_space<vmem>>
    %dma_wait3A_232 = tpu.memref_squeeze %dma_wait3A_231 : memref<1x128xf32, #tpu.memory_space<vmem>> -> memref<128xf32, #tpu.memory_space<vmem>>
    %dma_wait3A_233 = tpu.memref_slice %arg9[%add3A_228] : memref<16384xf32, #tpu.memory_space<hbm>> -> memref<128xf32, #tpu.memory_space<hbm>>
    %dma_wait3A_234 = tpu.memref_slice %arg9[%add3A_228] : memref<16384xf32, #tpu.memory_space<hbm>> -> memref<128xf32, #tpu.memory_space<hbm>>
    %dma_wait3A_235 = arith.constant 384 : i32
    %dma_wait3A_236 = tpu.memref_slice %arg12[%dma_wait3A_229, %dma_wait3A_235] : memref<4x512xf32, #tpu.memory_space<vmem>> -> memref<1x128xf32, #tpu.memory_space<vmem>>
    %dma_wait3A_237 = tpu.memref_squeeze %dma_wait3A_236 : memref<1x128xf32, #tpu.memory_space<vmem>> -> memref<128xf32, #tpu.memory_space<vmem>>
    tpu.wait_dma2 semaphore(%arg16 : memref<!tpu.dma_semaphore, #tpu.memory_space<semaphore_mem>>) src(%dma_wait3A_237 : memref<128xf32, #tpu.memory_space<vmem>>) dst(%dma_wait3A_234 : memref<128xf32, #tpu.memory_space<hbm>>)
    return
  }
}

</mosaic_0001>

<sc_bundles>
// kernel: kernel.3.cloned.1.call-start
scs
__scs_entry_jumppad:
0x0: {  	(pc) =	sbr.rel $0x88, $3  }
0x1: {  	(tag) =	ssettag $0x0;
	lr =	simm.s32 $0x1  }
0x2: {  	[smem:$0x3F9A] =	sst lr;
	_ =	strace $0xD0000000  }
0x3: {  	_ = 	snop  }
0x4: {  	_ = 	snop  }
0x5: {  	_ = 	snop  }
0x6: {  	_ = 	snop  }
0x7: {  	_ = 	snop  }
__scs_overlays_trampoline_lowered:
0x8: {  	[smem:$0x3FA9] =	sst s0  }
0x9: {  	[smem:$0x3FAA] =	sst s1  }
0xa: {  	[smem:$0x3FAB] =	sst s2  }
0xb: {  	[smem:$0x3FAC] =	sst s3  }
0xc: {  	[smem:$0x3FAD] =	sst s4  }
0xd: {  	[smem:$0x3FAE] =	sst s5  }
0xe: {  	[smem:$0x3FAF] =	sst s6  }
0xf: {  	[smem:$0x3FB0] =	sst s7  }
0x10: {  	[smem:$0x3FB1] =	sst s8  }
0x11: {  	[smem:$0x3FB2] =	sst s9;
	s0 =	simm.s32 @!p0 $0x0  }
0x12: {  	s1 =	sld [smem:$0x3F98];
	s0 =	simm.s32 @p0 $0x1  }
0x13: {  	[smem:$0x3FB3] =	sst s0;
	s0 =	simm.s32 @!p1 $0x0  }
0x14: {  	s2 =	sld [smem:$0x3F97];
	s0 =	simm.s32 @p1 $0x1  }
0x15: {  	[smem:$0x3FB4] =	sst s0;
	s0 =	simm.s32 @!p2 $0x0  }
0x16: {  	s3 =	sld [smem:$0x3FDB];
	s0 =	simm.s32 @p2 $0x1  }
0x17: {  	s4 =	simm.s32 $0x1BF5;
	[smem:$0x3FB6] =	sst s0  }
0x18: {  	s0 =	sld [smem:$0x3F99];
	_ =	swait.ge [sflag:s4], $0x0  }
0x19: {  	s7 =	sld [smem:$0x3F9A]  }
0x1a: {  	s8 =	sadd.s32 $0xFFFFE003, lr  }
0x1b: {  	s9 =	sadd.s32 $0xFFFFFEF7, lr;
	s5 =	simm.s32 $0xFFFFFFFF;
	p2 =	slt.u32 s8, $0xFFFFF086  }
0x1c: {  	p1 =	slt.u32 s9, $0xF7A;
	s5 =	simm.s32 @!p2 $0x0  }
0x1d: {  	s5 =	simm.s32 @p1 $0x1;
	p0 =	seq.s32 s7, s2  }
0x1e: {  	s7 =	smul.u32 @!p0 $0xF7A, s2;
	p2 =	seq.s32 @!p0 s5, $0x0  }
0x1f: {  	s9 =	smul.u32 $0xF7A, s1;
	s8 =	simm.s32 @!p0 $0x1BF5;
	p2 =	por !p2, p0  }
0x20: {  	[sflag:s8] =	ssyncset.s32 @!p0 $0xFFFFF086;
	s6 =	sadd.s32 @!p0 s3, s7;
	s7 =	simm.s32 @!p0 $0x108  }
0x21: {  	s3 =	sadd.s32 s3, s9;
	s6 =	sadd.s32 @!p0 $0x88, s6;
	s7 =	simm.s32 @p2 $0x1082  }
0x22: {  	[simem:s7], [sflag:s8] =	dma.local @!p0 [hbm:s6], $0xF7A  }
0x23: {  	s9 =	sor.u32 $0xD0000000, s2;
	s6 =	simm.s32 $0x108;
	_ =	swait.ge @!p0 [sflag:s8], $0x0  }
0x24: {  	s3 =	sadd.s32 $0x88, s3;
	s6 =	simm.s32 @!p1 $0x1082;
	[sflag:s4] =	ssyncset.s32 $0xFFFFF086  }
0x25: {  	[simem:s6], [sflag:s4] =	dma.local [hbm:s3], $0xF7A  }
0x26: {  	[smem:$0x3F9A] =	sst s1;
	(tag) =	ssettag s2;
	_ =	strace s9  }
0x27: {  	s1 =	sld [smem:$0x3FAA]  }
0x28: {  	s2 =	sld [smem:$0x3FAB]  }
0x29: {  	s4 =	sld [smem:$0x3FAD]  }
0x2a: {  	p0 =	seq.s32 s5, $0x0;
	s5 =	sld [smem:$0x3FAE]  }
0x2b: {  	s6 =	sld [smem:$0x3FAF]  }
0x2c: {  	s7 =	sld [smem:$0x3FB0]  }
0x2d: {  	s3 =	simm.s32 $0x108;
	s8 =	sld [smem:$0x3FB1]  }
0x2e: {  	s3 =	simm.s32 @!p0 $0x1082;
	s9 =	sld [smem:$0x3FB2]  }
0x2f: {  	lr =	sadd.s32 s0, s3;
	s0 =	sld [smem:$0x3FA9]  }
0x30: {  	s3 =	sld [smem:$0x3FAC]  }
0x31: {  	[smem:$0x3FB5] =	sst s10  }
0x32: {  	s10 =	sld [smem:$0x3FB3];
	_ =	sdelay $0x3  }
0x33: {  	p0 =	seq.s32 s10, $0x1;
	s10 =	sld [smem:$0x3FB5];
	_ =	sdelay $0x3  }
0x34: {  	[smem:$0x3FB5] =	sst s10  }
0x35: {  	s10 =	sld [smem:$0x3FB4];
	_ =	sdelay $0x3  }
0x36: {  	p1 =	seq.s32 s10, $0x1;
	s10 =	sld [smem:$0x3FB5];
	_ =	sdelay $0x3  }
0x37: {  	[smem:$0x3FB5] =	sst s10  }
0x38: {  	s10 =	sld [smem:$0x3FB6]  }
0x39: {  	_ = 	snop;
	(pc) =	sbr.ind lr, $3  }
0x3a: {  	_ = 	snop  }
0x3b: {  	_ = 	snop  }
0x3c: {  	p2 =	seq.s32 s10, $0x1;
	s10 =	sld [smem:$0x3FB5]  }
0x3d: {  	_ =	shalt  }
0x3e: {  	_ =	shalt  }
0x3f: {  	_ =	shalt  }
0x40: {  	_ =	shalt  }
0x41: {  	_ =	shalt  }
0x42: {  	_ =	shalt  }
0x43: {  	_ =	shalt  }
0x44: {  	_ =	shalt  }
0x45: {  	_ =	shalt  }
0x46: {  	_ =	shalt  }
0x47: {  	_ =	shalt  }
0x48: {  	_ =	shalt  }
0x49: {  	_ =	shalt  }
0x4a: {  	_ =	shalt  }
0x4b: {  	_ =	shalt  }
0x4c: {  	_ =	shalt  }
0x4d: {  	_ =	shalt  }
0x4e: {  	_ =	shalt  }
0x4f: {  	_ =	shalt  }
0x50: {  	_ =	shalt  }
0x51: {  	_ =	shalt  }
0x52: {  	_ =	shalt  }
0x53: {  	_ =	shalt  }
0x54: {  	_ =	shalt  }
0x55: {  	_ =	shalt  }
0x56: {  	_ =	shalt  }
0x57: {  	_ =	shalt  }
0x58: {  	_ =	shalt  }
0x59: {  	_ =	shalt  }
0x5a: {  	_ =	shalt  }
0x5b: {  	_ =	shalt  }
0x5c: {  	_ =	shalt  }
0x5d: {  	_ =	shalt  }
0x5e: {  	_ =	shalt  }
0x5f: {  	_ =	shalt  }
0x60: {  	_ =	shalt  }
0x61: {  	_ =	shalt  }
0x62: {  	_ =	shalt  }
0x63: {  	_ =	shalt  }
0x64: {  	_ =	shalt  }
0x65: {  	_ =	shalt  }
0x66: {  	_ =	shalt  }
0x67: {  	_ =	shalt  }
0x68: {  	_ =	shalt  }
0x69: {  	_ =	shalt  }
0x6a: {  	_ =	shalt  }
0x6b: {  	_ =	shalt  }
0x6c: {  	_ =	shalt  }
0x6d: {  	_ =	shalt  }
0x6e: {  	_ =	shalt  }
0x6f: {  	_ =	shalt  }
0x70: {  	_ =	shalt  }
0x71: {  	_ =	shalt  }
0x72: {  	_ =	shalt  }
0x73: {  	_ =	shalt  }
0x74: {  	_ =	shalt  }
0x75: {  	_ =	shalt  }
0x76: {  	_ =	shalt  }
0x77: {  	_ =	shalt  }
0x78: {  	_ =	shalt  }
0x79: {  	_ =	shalt  }
0x7a: {  	_ =	shalt  }
0x7b: {  	_ =	shalt  }
0x7c: {  	_ =	shalt  }
0x7d: {  	_ =	shalt  }
0x7e: {  	_ =	shalt  }
0x7f: {  	_ =	shalt  }
0x80: {  	_ =	shalt  }
0x81: {  	_ =	shalt  }
0x82: {  	_ =	shalt  }
0x83: {  	_ =	shalt  }
0x84: {  	_ =	shalt  }
0x85: {  	_ =	shalt  }
0x86: {  	_ =	shalt  }
0x87: {  	_ =	shalt  }
.Lfunc_end0:
.L_simem_size_0:
called_computation_lowered:
.L_overlay_start_0:
0x88: {  	s2 =	sld [smem:$0x3FD9]  }
0x89: {  	s3 =	sld [smem:$0x3FFE];
	_ =	sdelay $0x1  }
0x8a: {  	s1 =	srdreg.scid  }
0x8b: {  	s0 =	sand.u32 $0x1, s1  }
0x8c: {  	s17 =	sshll.u32 s0, $0xA;
	s2 =	sadd.s32 s3, s2  }
0x8d: {  	s2 =	sadd.s32 s2, s17  }
0x8e: {  	[smem:$0x3FC1] =	sst s2  }
0x8f: {  	_ = 	snop  }
0x90: {  	s2 =	sld [smem:$0x3FC9]  }
0x91: {  	s18 =	sld [smem:$0x3FC8]  }
0x92: {  	s4 =	sld [smem:$0x3FC7]  }
0x93: {  	s5 =	sld [smem:$0x3FC6]  }
0x94: {  	s6 =	sld [smem:$0x3FC5]  }
0x95: {  	s7 =	sld [smem:$0x3FD0];
	(tm) =	ssettm $0x1  }
0x96: {  	s8 =	sld [smem:$0x3FFB];
	_ =	sdelay $0x3  }
0x97: {  	_ =	strace s8  }
0x98: {  	s8 =	sld [smem:$0x3FFC];
	_ =	sdelay $0x3  }
0x99: {  	_ =	strace s8  }
0x9a: {  	s8 =	sld [smem:$0x3FFD];
	_ =	sdelay $0x3  }
0x9b: {  	_ =	strace s8  }
0x9c: {  	_ =	strace $0x8FFFFFFF  }
0x9d: {  	s19 =	sld [smem:$0x3FDB];
	_ =	sdelay $0x1  }
0x9e: {  	s9 =	simm.s32 $_scs_section_size  }
0x9f: {  	s10 =	simm.s32 $_size__tile_overlayer_lowered;
	s11 =	simm.s32 $_tile_overlayer_lowered  }
0xa0: {  	s22 =	simm.s32 $0x1BFF;
	s21 =	sshll.u32 s11, $0x1;
	s8 =	sadd.s32 s9, s19  }
0xa1: {  	s12 =	simm.s32 $0x0;
	s20 =	sshll.u32 s10, $0x1;
	s10 =	sadd.s32 s21, s8  }
0xa2: {  	[timem:s12], [sflag:s22] =	dma.local [hbm:s10], s20  }
0xa3: {  	_ =	swait.ge [sflag:s22], s20  }
0xa4: {  	s9 =	ssub.s32 $0x0, s20;
	[sflag:s22] =	ssyncset.done $0x0  }
0xa5: {  	[sflag:s22] =	ssyncadd.s32 s9;
	_ =	sdelay $0x1  }
0xa6: {  	s23 =	simm.s32 $0x1B8B  }
0xa7: {  	_ =	swait.ge [sflag:s23], $0x1  }
0xa8: {  	[sflag:s23] =	ssyncset.done $0x0  }
0xa9: {  	s25 =	simm.s32 $0x1B8E;
	s24 =	sld [smem:$0x3FFE];
	[sflag:s23] =	ssyncadd.s32 $0xFFFFFFFF  }
0xaa: {  	s26 =	simm.s32 $execute0_lowered;
	[smem:$0x3FD2] =	sst s25  }
0xab: {  	s10 =	sshll.u32 s26, $0x1;
	_ =	strace $0x80000046;
	[dreg:$0x1] =	wrdreg $0xFFFFFFFF  }
0xac: {  	s28 =	simm.s32 $_size_execute0_lowered;
	s8 =	sadd.s32 s8, s10;
	[dreg:$0x0] =	wrdreg $0x0  }
0xad: {  	s10 =	sshll.u32 s28, $0x1;
	[dreg:$0x2] =	wrdreg s8  }
0xae: {  	[dreg:$0x3] =	wrdreg s10  }
0xaf: {  	[dreg:$0x4] =	wrdreg $0xC0  }
0xb0: {  	_ =	task [dreg:s12], $0x5FFFF  }
0xb1: {  	[dreg:$0x1] =	wrdreg $0xFFFFFFFF  }
0xb2: {  	[dreg:$0x0] =	wrdreg $0x60  }
0xb3: {  	[dreg:$0x2] =	wrdreg s2  }
0xb4: {  	[dreg:$0x3] =	wrdreg s18  }
0xb5: {  	[dreg:$0x4] =	wrdreg s4  }
0xb6: {  	[dreg:$0x5] =	wrdreg s5  }
0xb7: {  	[dreg:$0x6] =	wrdreg s6  }
0xb8: {  	[dreg:$0x7] =	wrdreg s24  }
0xb9: {  	[dreg:$0x8] =	wrdreg s7  }
0xba: {  	[dreg:$0x9] =	wrdreg $0x9  }
0xbb: {  	_ =	task.clear_ibuf [dreg:s12], $0xAFFFF;
	_ =	strace $0x90000046  }
0xbc: {  	s29 =	simm.s32 $0x9;
	_ =	strace $0x80000048  }
0xbd: {  	_ =	swait.ge [sflag:s29], $0x1  }
0xbe: {  	[sflag:s29] =	ssyncadd.s32 $0xFFFFFFFF  }
0xbf: {  	_ =	strace $0x90000048  }
0xc0: {  	_ =	sfence  }
0xc1: {  	s30 =	sld [smem:$0x0];
	_ =	sdelay $0x2  }
0xc2: {  	s31 =	sshll.u32 s1, $0xD;
	s1 =	sshrl.u32 s1, $0x2  }
0xc3: {  	s3 =	sand.u32 $0x4000, s31;
	s1 =	sadd.s32 s1, s30  }
0xc4: {  	s0 =	sor.u32 s3, s0;
	s1 =	sshll.u32 s1, $0x11  }
0xc5: {  	s0 =	sor.u32 s1, s0  }
0xc6: {  	s0 =	sadd.s32 $0x8F2B, s0  }
0xc7: {  	[sflag:s0] =	ssyncadd.remote.s32 $0x1  }
0xc8: {  	_ =	sfence.sel $0xFFFF  }
0xc9: {  	[dreg:$0x0] =	wrdreg $0xFFFFFFFF;
	(pc) =	sbr.abs _section_cstart, $3  }
0xca: {  	[dreg:$0x1] =	wrdreg $0xFFFFFFFF  }
0xcb: {  	_ =	task.clear_ibuf [dreg:s12], $0x2FFFF;
	_ =	strace $0x9FFFFFFF  }
0xcc: {  	(tm) =	ssettm $0x7FFFFFFF  }
0xcd: {  	_ =	shalt  }
tec
execute0_lowered:
.L_overlay_start_1:
0x0: {  	(tag) =	ssettag $0x1  }
0x1: {  	s0 =	rddreg [dreg:$0x0]  }
0x2: {  	s3 =	rddreg [dreg:$0x1]  }
0x3: {  	s9 =	rddreg [dreg:$0x2]  }
0x4: {  	s1 =	rddreg [dreg:$0x3]  }
0x5: {  	s2 =	rddreg [dreg:$0x4]  }
0x6: {  	s8 =	rddreg [dreg:$0x5]  }
0x7: {  	s4 =	rddreg [dreg:$0x6]  }
0x8: {  	s6 =	srdreg.scid;
	s5 =	simm.s32 $0x0;
	s7 =	stileid.u32  }
0x9: {  	s15 =	simm.s32 $0x80;
	s16 =	simm.s32 $0x3;
	s17 =	simm.s32 $0x400  }
0xa: {  	s18 =	simm.s32 $0x4400;
	s19 =	simm.s32 $0x10400;
	s28 =	simm.s32 $0x380  }
0xb: {  	s20 =	simm.s32 $0xC400;
	s29 =	simm.s32 $0x1;
	s6 =	sand.u32 $0x1, s6  }
0xc: {  	s30 =	simm.s32 $0x2;
	s7 =	sshll.u32 s7, $0xA;
	s10 =	sshll.u32 s6, $0x9  }
0xd: {  	[smem:$0x7FF] =	sst s5;
	s11 =	ssub.s32 $0x2, s6;
	s6 =	sor.u32 s10, s7  }
0xe: {  	s31 =	simm.s32 $0x10A00;
	_ =	strace $0x80000047;
	s13 =	sshrl.u32 s6, $0x3  }
0xf: {  	s7 =	sadd.s32 $0x400, s8;
	s22 =	sshrl.u32 s11, $0x1;
	s23 =	sadd.s32 s0, s13  }
0x10: {  	s10 =	ssub.s32 s11, s22;
	s24 =	sadd.s32 s3, s13;
	[dreg:$0x8] =	wrdreg s23  }
0x11: {  	s12 =	sor.u32 $0x10, s13;
	s25 =	sadd.s32 s9, s13;
	[dreg:$0x9] =	wrdreg s24  }
.Ltmp0:
0x12: {  	s26 =	smax.u32 s10, $0x1;
	[dreg:$0xc] =	wrdreg s25;
	(pc) =	sbr.rel .LBB2_1-.Ltmp0, $4  }
0x13: {  	s8 =	sadd.s32 $0x3600, s8;
	s3 =	sadd.s32 s3, s12;
	[dreg:$0xd] =	wrdreg s26  }
0x14: {  	s0 =	sadd.s32 s0, s12;
	s24 =	simm.s32 $0x300;
	[dreg:$0xb] =	wrdreg s3  }
0x15: {  	v0 =	vlaneseq.u32;
	s26 =	simm.s32 $0x0;
	[dreg:$0xa] =	wrdreg s0;
	s0 =	sadd.s32 $0x10, s0  }
0x16: {  	v1 =	vor.u32 $0x80, v0;
	v2 =	vor.u32 $0x100, v0;
	v3 =	vor.u32 $0x180, v0;
	s3 =	simm.s32 $0x8400;
	[dreg:$0xe] =	wrdreg s0;
	s0 =	simm.s32 $0x10A80  }
.LBB2_12:
0x17: {  	s10 =	simm.s32 $0x4  }
0x18: {  	_ =	swait.ge [sflag:s10], $0x80  }
0x19: {  	[sflag:s10] =	ssyncset.done $0x0  }
0x1a: {  	[sflag:s10] =	ssyncadd.s32 $0xFFFFFF80  }
0x1b: {  	_ =	swait.ge [sflag:s10], $0x80  }
0x1c: {  	[sflag:s10] =	ssyncset.done $0x0  }
0x1d: {  	[sflag:s10] =	ssyncadd.s32 $0xFFFFFF80  }
0x1e: {  	_ =	swait.ge [sflag:s10], $0x80  }
0x1f: {  	[sflag:s10] =	ssyncset.done $0x0  }
0x20: {  	[sflag:s10] =	ssyncadd.s32 $0xFFFFFF80  }
0x21: {  	_ =	swait.ge [sflag:s10], $0x80  }
0x22: {  	s26 =	sadd.s32 $0x1, s26;
	s9 =	rddreg [dreg:$0xd]  }
0x23: {  	p0 =	sne.s32 s26, s9  }
.Ltmp1:
0x24: {  	_ = 	snop;
	(pc) =	sbr.rel @!p0 .LBB2_13-.Ltmp1, $3  }
0x25: {  	_ =	sdelay $0x1  }
0x26: {  	[sflag:s10] =	ssyncset.done $0x0  }
0x27: {  	[sflag:s10] =	ssyncadd.s32 $0xFFFFFF80  }
.LBB2_1:
0x28: {  	s9 =	rddreg [dreg:$0x8]  }
0x29: {  	[tilespmem:s5], [sflag:$0x3] =	stream.linear.gather [hbm4b:s9+s5], $0x80, $0x38;
	[tilespmem:$0x10C00] =	vst v63  }
0x2a: {  	s14 =	rddreg [dreg:$0x9]  }
0x2b: {  	[tilespmem:s15], [sflag:$0x3] =	stream.linear.gather [hbm4b:s14+s5], $0x80, $0x38;
	[tilespmem:$0x10C00] =	vst v63  }
0x2c: {  	_ =	swait.ge [sflag:s16], $0x80  }
0x2d: {  	[sflag:s16] =	ssyncset.done $0x0  }
0x2e: {  	[sflag:s16] =	ssyncadd.s32 $0xFFFFFF80  }
0x2f: {  	_ =	swait.ge [sflag:s16], $0x80  }
0x30: {  	[sflag:s16] =	ssyncset.done $0x0  }
0x31: {  	[sflag:s16] =	ssyncadd.s32 $0xFFFFFF80  }
0x32: {  	[tilespmem:s17], [sflag:$0x1] =	stream.indirect.gather [hbm4b:s1+s15], $0x80, s5, s15, $0xb8;
	[tilespmem:$0x10C00] =	vst v63  }
0x33: {  	_ = 	snop  }
0x34: {  	[tilespmem:s18], [sflag:$0x1] =	stream.indirect.gather [hbm4b:s2+s15], $0x80, s15, s15, $0xb8;
	[tilespmem:$0x10C00] =	vst v63  }
0x35: {  	_ = 	snop  }
0x36: {  	[tilespmem:s19], [sflag:$0x1] =	stream.indirect.gather [hbm4b:s7+s15], $0x1, s5, s15, $0xb8;
	[tilespmem:$0x10C00] =	vst v63  }
0x37: {  	s21 =	simm.s32 $0x10480  }
0x38: {  	[tilespmem:s21], [sflag:$0x1] =	stream.indirect.gather [hbm4b:s8+s15], $0x1, s15, s15, $0xb8;
	[tilespmem:$0x10C00] =	vst v63  }
0x39: {  	s11 =	simm.s32 $0x100;
	s22 =	rddreg [dreg:$0xa]  }
0x3a: {  	[tilespmem:s11], [sflag:$0x3] =	stream.linear.gather [hbm4b:s22+s5], $0x80, $0x38;
	[tilespmem:$0x10C00] =	vst v63  }
0x3b: {  	s12 =	simm.s32 $0x200;
	s10 =	rddreg [dreg:$0xe]  }
0x3c: {  	[tilespmem:s12], [sflag:$0x3] =	stream.linear.gather [hbm4b:s10+s5], $0x80, $0x38;
	[tilespmem:$0x10C00] =	vst v63  }
0x3d: {  	s9 =	sadd.s32 $0x20, s22  }
0x3e: {  	[tilespmem:s24], [sflag:$0x3] =	stream.linear.gather [hbm4b:s9+s5], $0x80, $0x38;
	[tilespmem:$0x10C00] =	vst v63  }
0x3f: {  	s23 =	rddreg [dreg:$0xb];
	s12 =	simm.s32 $0x180  }
0x40: {  	[tilespmem:s12], [sflag:$0x3] =	stream.linear.gather [hbm4b:s23+s5], $0x80, $0x38;
	[tilespmem:$0x10C00] =	vst v63  }
0x41: {  	s13 =	simm.s32 $0x280;
	s25 =	sadd.s32 $0x10, s23  }
0x42: {  	[tilespmem:s13], [sflag:$0x3] =	stream.linear.gather [hbm4b:s25+s5], $0x80, $0x38;
	[tilespmem:$0x10C00] =	vst v63  }
0x43: {  	s14 =	sadd.s32 $0x20, s23  }
0x44: {  	[tilespmem:s28], [sflag:$0x3] =	stream.linear.gather [hbm4b:s14+s5], $0x80, $0x38;
	[tilespmem:$0x10C00] =	vst v63  }
0x45: {  	s21 =	rddreg [dreg:$0xc];
	s22 =	simm.s32 $0x10500  }
0x46: {  	[tilespmem:s22], [sflag:$0x3] =	stream.linear.gather [hbm4b:s21+s5], $0x80, $0x38;
	[tilespmem:$0x10C00] =	vst v63  }
0x47: {  	s23 =	sadd.s32 $0x10, s21;
	s25 =	simm.s32 $0x10700  }
0x48: {  	[tilespmem:s25], [sflag:$0x3] =	stream.linear.gather [hbm4b:s23+s5], $0x80, $0x38;
	[tilespmem:$0x10C00] =	vst v63  }
0x49: {  	s13 =	sadd.s32 $0x20, s21;
	s14 =	simm.s32 $0x10900  }
0x4a: {  	[tilespmem:s14], [sflag:$0x3] =	stream.linear.gather [hbm4b:s13+s5], $0x80, $0x38;
	[tilespmem:$0x10C00] =	vst v63  }
0x4b: {  	s21 =	sadd.s32 $0x30, s21;
	s22 =	simm.s32 $0x10B00  }
0x4c: {  	[tilespmem:s22], [sflag:$0x3] =	stream.linear.gather [hbm4b:s21+s5], $0x80, $0x38;
	[tilespmem:$0x10C00] =	vst v63  }
0x4d: {  	_ =	swait.ge [sflag:s16], $0x180  }
0x4e: {  	[sflag:s16] =	ssyncset.done $0x0  }
0x4f: {  	[sflag:s16] =	ssyncadd.s32 $0xFFFFFE80  }
0x50: {  	_ =	swait.ge [sflag:s16], $0x180  }
0x51: {  	[sflag:s16] =	ssyncset.done $0x0  }
0x52: {  	[sflag:s16] =	ssyncadd.s32 $0xFFFFFE80  }
0x53: {  	_ =	swait.ge [sflag:s16], $0x200  }
0x54: {  	[sflag:s16] =	ssyncset.done $0x0  }
0x55: {  	[sflag:s16] =	ssyncadd.s32 $0xFFFFFE00  }
0x56: {  	[tilespmem:s3], [sflag:$0x2] =	stream.indirect.gather [hbm4b:s1+s15], $0x80, s11, s15, $0xb8;
	[tilespmem:$0x10C00] =	vst v63  }
0x57: {  	_ = 	snop  }
0x58: {  	[tilespmem:s20], [sflag:$0x2] =	stream.indirect.gather [hbm4b:s2+s15], $0x80, s12, s15, $0xb8;
	[tilespmem:$0x10C00] =	vst v63  }
0x59: {  	s23 =	simm.s32 $0x10600  }
0x5a: {  	[tilespmem:s23], [sflag:$0x2] =	stream.indirect.gather [hbm4b:s7+s15], $0x1, s11, s15, $0xb8;
	[tilespmem:$0x10C00] =	vst v63  }
0x5b: {  	p0 =	por $0x1, $0x1;
	s9 =	simm.s32 $0x0;
	s25 =	simm.s32 $0x10680  }
0x5c: {  	[tilespmem:s25], [sflag:$0x2] =	stream.indirect.gather [hbm4b:s8+s15], $0x1, s12, s15, $0xb8;
	[tilespmem:$0x10C00] =	vst v63  }
.LBB2_2:
0x5d: {  	_ =	swait.ge [sflag:s29], $0x4000  }
0x5e: {  	[sflag:s29] =	ssyncset.done $0x0  }
0x5f: {  	[sflag:s29] =	ssyncadd.s32 $0xFFFFC000  }
0x60: {  	_ =	swait.ge [sflag:s29], $0x4000  }
0x61: {  	[sflag:s29] =	ssyncset.done $0x0  }
0x62: {  	[sflag:s29] =	ssyncadd.s32 $0xFFFFC000  }
0x63: {  	_ =	swait.ge [sflag:s29], $0x80  }
0x64: {  	[sflag:s29] =	ssyncset.done $0x0  }
0x65: {  	[sflag:s29] =	ssyncadd.s32 $0xFFFFFF80  }
0x66: {  	_ =	swait.ge [sflag:s29], $0x80  }
0x67: {  	[sflag:s29] =	ssyncset.done $0x0  }
0x68: {  	s10 =	sshll.u32 s9, $0x8;
	s14 =	simm.s32 $0x0;
	[sflag:s29] =	ssyncadd.s32 $0xFFFFFF80  }
.LBB2_3:
0x69: {  	s22 =	sshll.u32 s14, $0x4;
	s21 =	simm.s32 $0xE  }
0x6a: {  	v4 =	vor.u32 s22, v0;
	v5 =	vadd.s32 s21, v0  }
0x6b: {  	v6 =	vshll.u32 v4, $0x7;
	v5 =	vand.u32 $0x7F, v5  }
0x6c: {  	s25 =	simm.s32 $0x0;
	v13 =	vor.u32 v0, v6;
	v5 =	vor.u32 v6, v5  }
0x6d: {  	s13 =	simm.s32 $0xC;
	v7 =	vor.u32 s25, v13  }
0x6e: {  	s23 =	simm.s32 $0xA;
	v8 =	vadd.s32 s13, v0  }
0x6f: {  	v9 =	vadd.s32 s23, v0;
	v8 =	vand.u32 $0x7F, v8  }
0x70: {  	v11 =	vor.u32 v6, v8;
	v8 =	vand.u32 $0x7F, v9  }
0x71: {  	s25 =	simm.s32 $0x8;
	v12 =	vor.u32 v6, v8;
	v8 =	vld.idx.msk [tilespmem:v5+s17+$0x0], $0xffff  }
0x72: {  	v9 =	vadd.s32 s25, v0;
	v15 =	vld.idx.msk [tilespmem:v7+s17+$0x0], $0xffff  }
0x73: {  	s11 =	simm.s32 $0x6;
	v17 =	vld.idx.msk [tilespmem:v7+s18+$0x0], $0xffff;
	v7 =	vand.u32 $0x7F, v9  }
0x74: {  	v14 =	vadd.s32 s11, v0;
	v10 =	vld.idx.msk [tilespmem:v5+s18+$0x0], $0xffff;
	v16 =	vor.u32 v6, v7  }
0x75: {  	s12 =	simm.s32 $0x4;
	v14 =	vand.u32 $0x7F, v14;
	v9 =	vld.idx.msk [tilespmem:v11+s18+$0x0], $0xffff  }
0x76: {  	v19 =	vadd.s32 s12, v0;
	v20 =	vor.u32 v6, v14;
	v7 =	vld.idx.msk [tilespmem:v11+s17+$0x0], $0xffff  }
0x77: {  	s13 =	simm.s32 $0x2;
	v19 =	vand.u32 $0x7F, v19;
	v11 =	vld.idx.msk [tilespmem:v12+s17+$0x0], $0xffff  }
0x78: {  	s23 =	simm.s32 $0x1;
	v22 =	vadd.s32 s13, v0;
	v21 =	vor.u32 v6, v19;
	v12 =	vld.idx.msk [tilespmem:v12+s18+$0x0], $0xffff  }
0x79: {  	v18 =	vimm.f32 $0.0e+00;
	v23 =	vadd.s32 s23, v0;
	v19 =	vand.u32 $0x7F, v22;
	v14 =	vld.idx.msk [tilespmem:v16+s17+$0x0], $0xffff  }
0x7a: {  	s21 =	simm.s32 $0xF;
	v22 =	vor.u32 v6, v19;
	v19 =	vimm.f32 $0.0e+00;
	s25 =	simm.s32 $0x1F;
	v5 =	vmov s22;
	v16 =	vld.idx.msk [tilespmem:v16+s18+$0x0], $0xffff  }
.LBB2_4:
0x7b: {  	p1 =	sne.s32 s25, $0x7F;
	v23 =	vand.u32 $0x7F, v23;
	s11 =	sadd.s32 $0xFFFFFFF4, s21;
	v24 =	vld.idx.msk [tilespmem:v20+s17+$0x0], $0xffff  }
0x7c: {  	v23 =	vor.u32 v6, v23;
	v25 =	vadd.s32 s11, v0;
	v20 =	vld.idx.msk [tilespmem:v20+s18+$0x0], $0xffff  }
0x7d: {  	s11 =	sadd.s32 $0xFFFFFFF6, s21;
	v25 =	vand.u32 $0x7F, v25;
	v26 =	vld.idx.msk [tilespmem:v21+s17+$0x0], $0xffff  }
0x7e: {  	v27 =	vadd.s32 s11, v0;
	v25 =	vor.u32 v6, v25;
	v21 =	vld.idx.msk [tilespmem:v21+s18+$0x0], $0xffff  }
0x7f: {  	s11 =	sadd.s32 $0xFFFFFFF8, s21;
	v27 =	vand.u32 $0x7F, v27;
	v28 =	vld.idx.msk [tilespmem:v22+s17+$0x0], $0xffff  }
0x80: {  	v29 =	vadd.s32 s11, v0;
	v27 =	vor.u32 v6, v27;
	v22 =	vld.idx.msk [tilespmem:v22+s18+$0x0], $0xffff  }
0x81: {  	s11 =	sadd.s32 $0xFFFFFFFA, s21;
	v29 =	vand.u32 $0x7F, v29;
	v30 =	vld.idx.msk [tilespmem:v23+s17+$0x0], $0xffff  }
0x82: {  	v31 =	vadd.s32 s11, v0;
	v29 =	vor.u32 v6, v29;
	v23 =	vld.idx.msk [tilespmem:v23+s18+$0x0], $0xffff  }
0x83: {  	s12 =	sadd.s32 $0xFFFFFFFC, s21;
	s11 =	sadd.s32 $0xFFFFFFFF, s25;
	v31 =	vand.u32 $0x7F, v31;
	v32 =	vld.idx.msk [tilespmem:v25+s17+$0x0], $0xffff  }
0x84: {  	s13 =	sadd.s32 $0xFFFFFFFB, s25;
	s23 =	sadd.s32 $0xFFFFFFFD, s25;
	v34 =	vadd.s32 s12, v0;
	v33 =	vadd.s32 s11, v0;
	v31 =	vor.u32 v6, v31;
	v25 =	vld.idx.msk [tilespmem:v25+s18+$0x0], $0xffff  }
0x85: {  	v35 =	vadd.s32 s13, v0;
	v36 =	vadd.s32 s23, v0;
	s12 =	sadd.s32 $0xFFFFFFFE, s21;
	v34 =	vand.u32 $0x7F, v34;
	s11 =	sadd.s32 $0xFFFFFFF9, s25;
	v37 =	vld.idx.msk [tilespmem:v27+s17+$0x0], $0xffff  }
0x86: {  	v39 =	vadd.s32 s12, v0;
	v34 =	vor.u32 v6, v34;
	v38 =	vadd.s32 s11, v0;
	v27 =	vld.idx.msk [tilespmem:v27+s18+$0x0], $0xffff  }
0x87: {  	v15 =	vmul.f32 v17, v15;
	v40 =	vadd.s32 s21, v0;
	v39 =	vand.u32 $0x7F, v39;
	s21 =	smov.u32 s25;
	v17 =	vld.idx.msk [tilespmem:v29+s17+$0x0], $0xffff  }
0x88: {  	s11 =	sadd.s32 $0xFFFFFFF7, s25;
	v23 =	vmul.f32 v23, v30;
	v30 =	vor.u32 v6, v39;
	v39 =	vand.u32 $0x7F, v40;
	v29 =	vld.idx.msk [tilespmem:v29+s18+$0x0], $0xffff  }
0x89: {  	v22 =	vmul.f32 v22, v28;
	v40 =	vadd.s32 s11, v0;
	v39 =	vor.u32 v6, v39;
	v28 =	vld.idx.msk [tilespmem:v31+s17+$0x0], $0xffff  }
0x8a: {  	v15 =	vadd.f32 v15, v18;
	s11 =	sadd.s32 $0xFFFFFFF1, s25;
	v18 =	vadd.f32 v23, v19;
	v19 =	vmul.f32 v25, v32;
	v23 =	vld.idx.msk [tilespmem:v31+s18+$0x0], $0xffff  }
0x8b: {  	v21 =	vmul.f32 v21, v26;
	v25 =	vor.u32 s11, v13;
	v31 =	vand.u32 $0x7F, v33;
	v26 =	vld.idx.msk [tilespmem:v34+s17+$0x0], $0xffff  }
0x8c: {  	v15 =	vadd.f32 v22, v15;
	v18 =	vadd.f32 v19, v18;
	v19 =	vmul.f32 v27, v37;
	v22 =	vld.idx.msk [tilespmem:v34+s18+$0x0], $0xffff  }
0x8d: {  	v20 =	vmul.f32 v20, v24;
	v27 =	vand.u32 $0x7F, v36;
	v31 =	vor.u32 v6, v31;
	v24 =	vld.idx.msk [tilespmem:v30+s17+$0x0], $0xffff  }
0x8e: {  	v15 =	vadd.f32 v21, v15;
	v18 =	vadd.f32 v19, v18;
	v17 =	vmul.f32 v29, v17;
	v19 =	vld.idx.msk [tilespmem:v30+s18+$0x0], $0xffff  }
0x8f: {  	v14 =	vmul.f32 v16, v14;
	v21 =	vand.u32 $0x7F, v35;
	v27 =	vor.u32 v6, v27;
	v16 =	vld.idx.msk [tilespmem:v39+s17+$0x0], $0xffff  }
0x90: {  	v20 =	vadd.f32 v20, v15;
	v18 =	vadd.f32 v17, v18;
	v23 =	vmul.f32 v23, v28;
	v28 =	vld.idx.msk [tilespmem:v39+s18+$0x0], $0xffff  }
0x91: {  	v11 =	vmul.f32 v12, v11;
	v29 =	vand.u32 $0x7F, v38;
	v30 =	vor.u32 v6, v21;
	v15 =	vld.idx.msk [tilespmem:v25+s17+$0x0], $0xffff  }
0x92: {  	v12 =	vadd.f32 v14, v20;
	v14 =	vadd.f32 v23, v18;
	v18 =	vmul.f32 v22, v26;
	v17 =	vld.idx.msk [tilespmem:v25+s18+$0x0], $0xffff  }
0x93: {  	v20 =	vand.u32 $0x7F, v40;
	v21 =	vmul.f32 v9, v7;
	v25 =	vor.u32 v6, v29;
	v22 =	vld.idx.msk [tilespmem:v31+s17+$0x0], $0xffff  }
0x94: {  	s11 =	sadd.s32 $0xFFFFFFF5, s25;
	v11 =	vadd.f32 v11, v12;
	v12 =	vadd.f32 v18, v14;
	v14 =	vmul.f32 v19, v24;
	v26 =	vld.idx.msk [tilespmem:v31+s18+$0x0], $0xffff  }
0x95: {  	v8 =	vmul.f32 v10, v8;
	v20 =	vor.u32 v6, v20;
	v18 =	vadd.s32 s11, v0;
	v7 =	vld.idx.msk [tilespmem:v27+s17+$0x0], $0xffff  }
.Ltmp2:
0x96: {  	v10 =	vadd.f32 v21, v11;
	s11 =	sadd.s32 $0xFFFFFFF3, s25;
	v14 =	vadd.f32 v14, v12;
	v16 =	vmul.f32 v28, v16;
	v9 =	vld.idx.msk [tilespmem:v27+s18+$0x0], $0xffff;
	(pc) =	sbr.rel @p1 .LBB2_4-.Ltmp2, $4  }
0x97: {  	v23 =	vadd.s32 s11, v0;
	v12 =	vand.u32 $0x7F, v18;
	v11 =	vld.idx.msk [tilespmem:v30+s17+$0x0], $0xffff  }
0x98: {  	v18 =	vadd.f32 v8, v10;
	v21 =	vor.u32 v6, v12;
	v19 =	vadd.f32 v16, v14;
	v12 =	vld.idx.msk [tilespmem:v30+s18+$0x0], $0xffff  }
0x99: {  	s11 =	sadd.s32 $0xFFFFFFF2, s25;
	v24 =	vand.u32 $0x7F, v23;
	v8 =	vmov v22;
	v14 =	vld.idx.msk [tilespmem:v25+s17+$0x0], $0xffff  }
0x9a: {  	s25 =	sadd.s32 $0x10, s25;
	v23 =	vadd.s32 s11, v0;
	v22 =	vor.u32 v6, v24;
	v10 =	vmov v26;
	v16 =	vld.idx.msk [tilespmem:v25+s18+$0x0], $0xffff  }
0x9b: {  	_ =	sdelay $0x3  }
0x9c: {  	v13 =	vand.u32 $0x7F, v23;
	s11 =	sadd.s32 $0xFFFFFFF4, s21;
	v61 =	vld.idx.msk [tilespmem:v20+s17+$0x0], $0xffff  }
0x9d: {  	v62 =	vld.idx.msk [tilespmem:v20+s18+$0x0], $0xffff;
	v13 =	vor.u32 v6, v13;
	v24 =	vadd.s32 s11, v0  }
0x9e: {  	v25 =	vld.idx.msk [tilespmem:v21+s17+$0x0], $0xffff;
	s23 =	sadd.s32 $0xFFFFFFF6, s21;
	v24 =	vand.u32 $0x7F, v24  }
0x9f: {  	v63 =	vld.idx.msk [tilespmem:v21+s18+$0x0], $0xffff;
	v26 =	vadd.s32 s23, v0;
	v24 =	vor.u32 v6, v24  }
0xa0: {  	v27 =	vld.idx.msk [tilespmem:v22+s17+$0x0], $0xffff;
	s25 =	sadd.s32 $0xFFFFFFF8, s21;
	v26 =	vand.u32 $0x7F, v26  }
0xa1: {  	v36 =	vld.idx.msk [tilespmem:v22+s18+$0x0], $0xffff;
	v28 =	vadd.s32 s25, v0;
	v26 =	vor.u32 v6, v26  }
0xa2: {  	s12 =	sadd.s32 $0xFFFFFFFA, s21;
	v28 =	vand.u32 $0x7F, v28;
	v29 =	vld.idx.msk [tilespmem:v13+s17+$0x0], $0xffff  }
0xa3: {  	v30 =	vadd.s32 s12, v0;
	v28 =	vor.u32 v6, v28;
	v13 =	vld.idx.msk [tilespmem:v13+s18+$0x0], $0xffff  }
0xa4: {  	s13 =	sadd.s32 $0xFFFFFFFC, s21;
	v30 =	vand.u32 $0x7F, v30;
	v31 =	vld.idx.msk [tilespmem:v24+s17+$0x0], $0xffff  }
0xa5: {  	v32 =	vadd.s32 s13, v0;
	v30 =	vor.u32 v6, v30;
	v24 =	vld.idx.msk [tilespmem:v24+s18+$0x0], $0xffff  }
0xa6: {  	v15 =	vmul.f32 v17, v15;
	s23 =	sadd.s32 $0xFFFFFFFE, s21;
	v32 =	vand.u32 $0x7F, v32;
	v33 =	vld.idx.msk [tilespmem:v26+s17+$0x0], $0xffff  }
0xa7: {  	v35 =	vadd.s32 s21, v0;
	v34 =	vadd.s32 s23, v0;
	v32 =	vor.u32 v6, v32;
	v26 =	vld.idx.msk [tilespmem:v26+s18+$0x0], $0xffff  }
0xa8: {  	v39 =	vand.u32 $0x7F, v35;
	s25 =	sadd.s32 s10, s22;
	v34 =	vand.u32 $0x7F, v34;
	v37 =	vld.idx.msk [tilespmem:v28+s17+$0x0], $0xffff;
	v13 =	vmul.f32 v13, v29  }
0xa9: {  	v15 =	vadd.f32 v15, v18;
	v47 =	vmov s25;
	v38 =	vor.u32 v6, v34;
	v28 =	vld.idx.msk [tilespmem:v28+s18+$0x0], $0xffff  }
0xaa: {  	v22 =	vmul.f32 v36, v27;
	v40 =	vld.idx.msk [tilespmem:v30+s17+$0x0], $0xffff;
	v13 =	vadd.f32 v13, v19;
	v41 =	vmul.f32 v24, v31  }
0xab: {  	v42 =	vor.u32 v6, v39;
	v49 =	vshrl.u32 v47, $0x7;
	v21 =	vmul.f32 v63, v25;
	v43 =	vld.idx.msk [tilespmem:v30+s18+$0x0], $0xffff  }
0xac: {  	v15 =	vadd.f32 v22, v15;
	v44 =	vld.idx.msk [tilespmem:v32+s17+$0x0], $0xffff;
	v45 =	vmul.f32 v26, v33;
	v13 =	vadd.f32 v41, v13  }
0xad: {  	v51 =	vshll.u32 v49, $0x9;
	v20 =	vmul.f32 v62, v61;
	v46 =	vld.idx.msk [tilespmem:v32+s18+$0x0], $0xffff  }
0xae: {  	v15 =	vadd.f32 v21, v15;
	v48 =	vld.idx.msk [tilespmem:v38+s17+$0x0], $0xffff;
	v17 =	vmul.f32 v28, v37;
	v13 =	vadd.f32 v45, v13  }
0xaf: {  	v14 =	vmul.f32 v16, v14;
	v16 =	vbroadcast v51, $0x0;
	v50 =	vld.idx.msk [tilespmem:v38+s18+$0x0], $0xffff  }
0xb0: {  	v52 =	vld.idx.msk [tilespmem:v42+s17+$0x0], $0xffff;
	v15 =	vadd.f32 v20, v15;
	v53 =	vmul.f32 v43, v40;
	v13 =	vadd.f32 v17, v13  }
0xb1: {  	v11 =	vmul.f32 v12, v11;
	v6 =	vld.idx.msk [tilespmem:v42+s18+$0x0], $0xffff;
	v4 =	vor.u32 v4, v16;
	v5 =	vor.u32 v16, v5  }
0xb2: {  	v54 =	vadd.f32 v14, v15;
	v55 =	vmul.f32 v46, v44;
	v13 =	vadd.f32 v53, v13  }
0xb3: {  	v7 =	vmul.f32 v9, v7;
	v59 =	vor.u32 v1, v5  }
0xb4: {  	v58 =	vmul.f32 v50, v48;
	v56 =	vadd.f32 v11, v54;
	v57 =	vadd.f32 v55, v13  }
0xb5: {  	v8 =	vmul.f32 v10, v8;
	v61 =	vor.u32 v2, v5  }
0xb6: {  	v6 =	vmul.f32 v6, v52;
	v7 =	vadd.f32 v7, v56;
	v60 =	vadd.f32 v58, v57  }
0xb7: {  	v4 =	vld.idx.msk [tilespmem:v4+s19+$0x0], $0xffff  }
0xb8: {  	v7 =	vadd.f32 v8, v7;
	v6 =	vadd.f32 v6, v60  }
0xb9: {  	v62 =	vld.idx.msk [tilespmem:v59+s19+$0x0], $0xffff  }
0xba: {  	v6 =	vadd.f32 v6, v7  }
0xbb: {  	v63 =	vld.idx.msk [tilespmem:v61+s19+$0x0], $0xffff  }
0xbc: {  	s14 =	sadd.s32 $0x1, s14;
	v4 =	vadd.f32 v4, v6  }
0xbd: {  	p1 =	sne.s32 s14, $0x8;
	v5 =	vor.u32 v3, v5  }
.Ltmp3:
0xbe: {  	v4 =	vadd.f32 v62, v4;
	(pc) =	sbr.rel @p1 .LBB2_3-.Ltmp3, $3  }
0xbf: {  	_ = 	snop  }
0xc0: {  	v4 =	vadd.f32 v63, v4;
	_ =	sdelay $0x1  }
0xc1: {  	[tilespmem:v5+s19+$0x0] =	vst.idx.msk $0xffff, v4  }
0xc2: {  	s10 =	sor.u32 s6, s10;
	s11 =	sshll.u32 s9, $0xA  }
0xc3: {  	s10 =	sshrl.u32 s10, $0x3;
	s11 =	sand.u32 $0x3FFFFC00, s11  }
0xc4: {  	s10 =	sadd.s32 s4, s10;
	s11 =	sadd.s32 $0x10580, s11  }
0xc5: {  	[hbm4b:s10+s5] =	stream.linear.scatter [tilespmem:s11], [sflag:$0x4], $0x80, $0x38;
	[tilespmem:$0x10C00] =	vst v63  }
0xc6: {  	s12 =	simm.s32 @p0 $0x400;
	s10 =	simm.s32 @p0 $0x80;
	s11 =	simm.s32 @p0 $0x200  }
0xc7: {  	[tilespmem:s12], [sflag:$0x1] =	stream.indirect.gather @p0 [hbm4b:s1+s10], $0x80, s11, s10, $0xb8;
	[tilespmem:$0x10C00] =	vst v63  }
0xc8: {  	s13 =	simm.s32 @p0 $0x4400;
	s12 =	simm.s32 @p0 $0x280  }
0xc9: {  	[tilespmem:s13], [sflag:$0x1] =	stream.indirect.gather @p0 [hbm4b:s2+s10], $0x80, s12, s10, $0xb8;
	[tilespmem:$0x10C00] =	vst v63  }
0xca: {  	s13 =	simm.s32 @p0 $0x10800  }
0xcb: {  	[tilespmem:s13], [sflag:$0x1] =	stream.indirect.gather @p0 [hbm4b:s7+s10], $0x1, s11, s10, $0xb8;
	[tilespmem:$0x10C00] =	vst v63  }
0xcc: {  	s11 =	simm.s32 @p0 $0x10880  }
0xcd: {  	[tilespmem:s11], [sflag:$0x1] =	stream.indirect.gather @p0 [hbm4b:s8+s10], $0x1, s12, s10, $0xb8;
	[tilespmem:$0x10C00] =	vst v63  }
0xce: {  	_ =	swait.ge [sflag:s30], $0x4000  }
0xcf: {  	[sflag:s30] =	ssyncset.done $0x0  }
0xd0: {  	[sflag:s30] =	ssyncadd.s32 $0xFFFFC000  }
0xd1: {  	_ =	swait.ge [sflag:s30], $0x4000  }
0xd2: {  	[sflag:s30] =	ssyncset.done $0x0  }
0xd3: {  	[sflag:s30] =	ssyncadd.s32 $0xFFFFC000  }
0xd4: {  	_ =	swait.ge [sflag:s30], $0x80  }
0xd5: {  	[sflag:s30] =	ssyncset.done $0x0  }
0xd6: {  	[sflag:s30] =	ssyncadd.s32 $0xFFFFFF80  }
0xd7: {  	s25 =	sshll.u32 s9, $0x1;
	_ =	swait.ge [sflag:s30], $0x80  }
0xd8: {  	s9 =	sor.u32 $0x1, s25;
	[sflag:s30] =	ssyncset.done $0x0  }
0xd9: {  	s14 =	simm.s32 $0x0;
	s10 =	sshll.u32 s9, $0x7;
	[sflag:s30] =	ssyncadd.s32 $0xFFFFFF80  }
.LBB2_7:
0xda: {  	s22 =	sshll.u32 s14, $0x4;
	s11 =	simm.s32 $0xE  }
0xdb: {  	v4 =	vor.u32 s22, v0;
	v5 =	vadd.s32 s11, v0  }
0xdc: {  	v6 =	vshll.u32 v4, $0x7;
	v5 =	vand.u32 $0x7F, v5  }
0xdd: {  	s12 =	simm.s32 $0x0;
	v13 =	vor.u32 v0, v6;
	v5 =	vor.u32 v6, v5  }
0xde: {  	s23 =	simm.s32 $0xC;
	v7 =	vor.u32 s12, v13  }
0xdf: {  	s25 =	simm.s32 $0xA;
	v8 =	vadd.s32 s23, v0  }
0xe0: {  	v9 =	vadd.s32 s25, v0;
	v8 =	vand.u32 $0x7F, v8  }
0xe1: {  	v11 =	vor.u32 v6, v8;
	v8 =	vand.u32 $0x7F, v9  }
0xe2: {  	s12 =	simm.s32 $0x8;
	v12 =	vor.u32 v6, v8;
	v8 =	vld.idx.msk [tilespmem:v5+s3+$0x0], $0xffff  }
0xe3: {  	v9 =	vadd.s32 s12, v0;
	v15 =	vld.idx.msk [tilespmem:v7+s3+$0x0], $0xffff  }
0xe4: {  	s13 =	simm.s32 $0x6;
	v17 =	vld.idx.msk [tilespmem:v7+s20+$0x0], $0xffff;
	v7 =	vand.u32 $0x7F, v9  }
0xe5: {  	v14 =	vadd.s32 s13, v0;
	v10 =	vld.idx.msk [tilespmem:v5+s20+$0x0], $0xffff;
	v16 =	vor.u32 v6, v7  }
0xe6: {  	s21 =	simm.s32 $0x4;
	v14 =	vand.u32 $0x7F, v14;
	v9 =	vld.idx.msk [tilespmem:v11+s20+$0x0], $0xffff  }
0xe7: {  	v19 =	vadd.s32 s21, v0;
	v20 =	vor.u32 v6, v14;
	v7 =	vld.idx.msk [tilespmem:v11+s3+$0x0], $0xffff  }
0xe8: {  	s23 =	simm.s32 $0x2;
	v19 =	vand.u32 $0x7F, v19;
	v11 =	vld.idx.msk [tilespmem:v12+s3+$0x0], $0xffff  }
0xe9: {  	s25 =	simm.s32 $0x1;
	v22 =	vadd.s32 s23, v0;
	v21 =	vor.u32 v6, v19;
	v12 =	vld.idx.msk [tilespmem:v12+s20+$0x0], $0xffff  }
0xea: {  	v18 =	vimm.f32 $0.0e+00;
	v23 =	vadd.s32 s25, v0;
	v19 =	vand.u32 $0x7F, v22;
	v14 =	vld.idx.msk [tilespmem:v16+s3+$0x0], $0xffff  }
0xeb: {  	s21 =	simm.s32 $0xF;
	s25 =	simm.s32 $0x1F;
	v22 =	vor.u32 v6, v19;
	v19 =	vimm.f32 $0.0e+00;
	v5 =	vmov s22;
	v16 =	vld.idx.msk [tilespmem:v16+s20+$0x0], $0xffff  }
.LBB2_8:
0xec: {  	p1 =	sne.s32 s25, $0x7F;
	v23 =	vand.u32 $0x7F, v23;
	s11 =	sadd.s32 $0xFFFFFFF4, s21;
	v24 =	vld.idx.msk [tilespmem:v20+s3+$0x0], $0xffff  }
0xed: {  	v23 =	vor.u32 v6, v23;
	v25 =	vadd.s32 s11, v0;
	v20 =	vld.idx.msk [tilespmem:v20+s20+$0x0], $0xffff  }
0xee: {  	s11 =	sadd.s32 $0xFFFFFFF6, s21;
	v25 =	vand.u32 $0x7F, v25;
	v26 =	vld.idx.msk [tilespmem:v21+s3+$0x0], $0xffff  }
0xef: {  	v27 =	vadd.s32 s11, v0;
	v25 =	vor.u32 v6, v25;
	v21 =	vld.idx.msk [tilespmem:v21+s20+$0x0], $0xffff  }
0xf0: {  	s11 =	sadd.s32 $0xFFFFFFF8, s21;
	v27 =	vand.u32 $0x7F, v27;
	v28 =	vld.idx.msk [tilespmem:v22+s3+$0x0], $0xffff  }
0xf1: {  	v29 =	vadd.s32 s11, v0;
	v27 =	vor.u32 v6, v27;
	v22 =	vld.idx.msk [tilespmem:v22+s20+$0x0], $0xffff  }
0xf2: {  	s11 =	sadd.s32 $0xFFFFFFFA, s21;
	v29 =	vand.u32 $0x7F, v29;
	v30 =	vld.idx.msk [tilespmem:v23+s3+$0x0], $0xffff  }
0xf3: {  	v31 =	vadd.s32 s11, v0;
	v29 =	vor.u32 v6, v29;
	v23 =	vld.idx.msk [tilespmem:v23+s20+$0x0], $0xffff  }
0xf4: {  	s12 =	sadd.s32 $0xFFFFFFFC, s21;
	s11 =	sadd.s32 $0xFFFFFFFF, s25;
	v31 =	vand.u32 $0x7F, v31;
	v32 =	vld.idx.msk [tilespmem:v25+s3+$0x0], $0xffff  }
0xf5: {  	s13 =	sadd.s32 $0xFFFFFFFB, s25;
	s23 =	sadd.s32 $0xFFFFFFFD, s25;
	v34 =	vadd.s32 s12, v0;
	v33 =	vadd.s32 s11, v0;
	v31 =	vor.u32 v6, v31;
	v25 =	vld.idx.msk [tilespmem:v25+s20+$0x0], $0xffff  }
0xf6: {  	v35 =	vadd.s32 s13, v0;
	v36 =	vadd.s32 s23, v0;
	s12 =	sadd.s32 $0xFFFFFFFE, s21;
	v34 =	vand.u32 $0x7F, v34;
	s11 =	sadd.s32 $0xFFFFFFF9, s25;
	v37 =	vld.idx.msk [tilespmem:v27+s3+$0x0], $0xffff  }
0xf7: {  	v39 =	vadd.s32 s12, v0;
	v34 =	vor.u32 v6, v34;
	v38 =	vadd.s32 s11, v0;
	v27 =	vld.idx.msk [tilespmem:v27+s20+$0x0], $0xffff  }
0xf8: {  	v15 =	vmul.f32 v17, v15;
	v40 =	vadd.s32 s21, v0;
	v39 =	vand.u32 $0x7F, v39;
	s21 =	smov.u32 s25;
	v17 =	vld.idx.msk [tilespmem:v29+s3+$0x0], $0xffff  }
0xf9: {  	s11 =	sadd.s32 $0xFFFFFFF7, s25;
	v23 =	vmul.f32 v23, v30;
	v30 =	vor.u32 v6, v39;
	v39 =	vand.u32 $0x7F, v40;
	v29 =	vld.idx.msk [tilespmem:v29+s20+$0x0], $0xffff  }
0xfa: {  	v22 =	vmul.f32 v22, v28;
	v40 =	vadd.s32 s11, v0;
	v39 =	vor.u32 v6, v39;
	v28 =	vld.idx.msk [tilespmem:v31+s3+$0x0], $0xffff  }
0xfb: {  	v15 =	vadd.f32 v15, v18;
	s11 =	sadd.s32 $0xFFFFFFF1, s25;
	v18 =	vadd.f32 v23, v19;
	v19 =	vmul.f32 v25, v32;
	v23 =	vld.idx.msk [tilespmem:v31+s20+$0x0], $0xffff  }
0xfc: {  	v21 =	vmul.f32 v21, v26;
	v25 =	vor.u32 s11, v13;
	v31 =	vand.u32 $0x7F, v33;
	v26 =	vld.idx.msk [tilespmem:v34+s3+$0x0], $0xffff  }
0xfd: {  	v15 =	vadd.f32 v22, v15;
	v18 =	vadd.f32 v19, v18;
	v19 =	vmul.f32 v27, v37;
	v22 =	vld.idx.msk [tilespmem:v34+s20+$0x0], $0xffff  }
0xfe: {  	v20 =	vmul.f32 v20, v24;
	v27 =	vand.u32 $0x7F, v36;
	v31 =	vor.u32 v6, v31;
	v24 =	vld.idx.msk [tilespmem:v30+s3+$0x0], $0xffff  }
0xff: {  	v15 =	vadd.f32 v21, v15;
	v18 =	vadd.f32 v19, v18;
	v17 =	vmul.f32 v29, v17;
	v19 =	vld.idx.msk [tilespmem:v30+s20+$0x0], $0xffff  }
0x100: {  	v14 =	vmul.f32 v16, v14;
	v21 =	vand.u32 $0x7F, v35;
	v27 =	vor.u32 v6, v27;
	v16 =	vld.idx.msk [tilespmem:v39+s3+$0x0], $0xffff  }
0x101: {  	v20 =	vadd.f32 v20, v15;
	v18 =	vadd.f32 v17, v18;
	v23 =	vmul.f32 v23, v28;
	v28 =	vld.idx.msk [tilespmem:v39+s20+$0x0], $0xffff  }
0x102: {  	v11 =	vmul.f32 v12, v11;
	v29 =	vand.u32 $0x7F, v38;
	v30 =	vor.u32 v6, v21;
	v15 =	vld.idx.msk [tilespmem:v25+s3+$0x0], $0xffff  }
0x103: {  	v12 =	vadd.f32 v14, v20;
	v14 =	vadd.f32 v23, v18;
	v18 =	vmul.f32 v22, v26;
	v17 =	vld.idx.msk [tilespmem:v25+s20+$0x0], $0xffff  }
0x104: {  	v20 =	vand.u32 $0x7F, v40;
	v21 =	vmul.f32 v9, v7;
	v25 =	vor.u32 v6, v29;
	v22 =	vld.idx.msk [tilespmem:v31+s3+$0x0], $0xffff  }
0x105: {  	s11 =	sadd.s32 $0xFFFFFFF5, s25;
	v11 =	vadd.f32 v11, v12;
	v12 =	vadd.f32 v18, v14;
	v14 =	vmul.f32 v19, v24;
	v26 =	vld.idx.msk [tilespmem:v31+s20+$0x0], $0xffff  }
0x106: {  	v8 =	vmul.f32 v10, v8;
	v20 =	vor.u32 v6, v20;
	v18 =	vadd.s32 s11, v0;
	v7 =	vld.idx.msk [tilespmem:v27+s3+$0x0], $0xffff  }
.Ltmp4:
0x107: {  	v10 =	vadd.f32 v21, v11;
	s11 =	sadd.s32 $0xFFFFFFF3, s25;
	v14 =	vadd.f32 v14, v12;
	v16 =	vmul.f32 v28, v16;
	v9 =	vld.idx.msk [tilespmem:v27+s20+$0x0], $0xffff;
	(pc) =	sbr.rel @p1 .LBB2_8-.Ltmp4, $4  }
0x108: {  	v23 =	vadd.s32 s11, v0;
	v12 =	vand.u32 $0x7F, v18;
	v11 =	vld.idx.msk [tilespmem:v30+s3+$0x0], $0xffff  }
0x109: {  	v18 =	vadd.f32 v8, v10;
	v21 =	vor.u32 v6, v12;
	v19 =	vadd.f32 v16, v14;
	v12 =	vld.idx.msk [tilespmem:v30+s20+$0x0], $0xffff  }
0x10a: {  	s11 =	sadd.s32 $0xFFFFFFF2, s25;
	v24 =	vand.u32 $0x7F, v23;
	v8 =	vmov v22;
	v14 =	vld.idx.msk [tilespmem:v25+s3+$0x0], $0xffff  }
0x10b: {  	s25 =	sadd.s32 $0x10, s25;
	v23 =	vadd.s32 s11, v0;
	v22 =	vor.u32 v6, v24;
	v10 =	vmov v26;
	v16 =	vld.idx.msk [tilespmem:v25+s20+$0x0], $0xffff  }
0x10c: {  	_ =	sdelay $0x3  }
0x10d: {  	v13 =	vand.u32 $0x7F, v23;
	s11 =	sadd.s32 $0xFFFFFFF4, s21;
	v61 =	vld.idx.msk [tilespmem:v20+s3+$0x0], $0xffff  }
0x10e: {  	v62 =	vld.idx.msk [tilespmem:v20+s20+$0x0], $0xffff;
	v13 =	vor.u32 v6, v13;
	v24 =	vadd.s32 s11, v0  }
0x10f: {  	v25 =	vld.idx.msk [tilespmem:v21+s3+$0x0], $0xffff;
	s23 =	sadd.s32 $0xFFFFFFF6, s21;
	v24 =	vand.u32 $0x7F, v24  }
0x110: {  	v63 =	vld.idx.msk [tilespmem:v21+s20+$0x0], $0xffff;
	v26 =	vadd.s32 s23, v0;
	v24 =	vor.u32 v6, v24  }
0x111: {  	v27 =	vld.idx.msk [tilespmem:v22+s3+$0x0], $0xffff;
	s25 =	sadd.s32 $0xFFFFFFF8, s21;
	v26 =	vand.u32 $0x7F, v26  }
0x112: {  	v36 =	vld.idx.msk [tilespmem:v22+s20+$0x0], $0xffff;
	v28 =	vadd.s32 s25, v0;
	v26 =	vor.u32 v6, v26  }
0x113: {  	s12 =	sadd.s32 $0xFFFFFFFA, s21;
	v28 =	vand.u32 $0x7F, v28;
	v29 =	vld.idx.msk [tilespmem:v13+s3+$0x0], $0xffff  }
0x114: {  	v30 =	vadd.s32 s12, v0;
	v28 =	vor.u32 v6, v28;
	v13 =	vld.idx.msk [tilespmem:v13+s20+$0x0], $0xffff  }
0x115: {  	s13 =	sadd.s32 $0xFFFFFFFC, s21;
	v30 =	vand.u32 $0x7F, v30;
	v31 =	vld.idx.msk [tilespmem:v24+s3+$0x0], $0xffff  }
0x116: {  	v32 =	vadd.s32 s13, v0;
	v30 =	vor.u32 v6, v30;
	v24 =	vld.idx.msk [tilespmem:v24+s20+$0x0], $0xffff  }
0x117: {  	v15 =	vmul.f32 v17, v15;
	s23 =	sadd.s32 $0xFFFFFFFE, s21;
	v32 =	vand.u32 $0x7F, v32;
	v33 =	vld.idx.msk [tilespmem:v26+s3+$0x0], $0xffff  }
0x118: {  	v35 =	vadd.s32 s21, v0;
	v34 =	vadd.s32 s23, v0;
	v32 =	vor.u32 v6, v32;
	v26 =	vld.idx.msk [tilespmem:v26+s20+$0x0], $0xffff  }
0x119: {  	v39 =	vand.u32 $0x7F, v35;
	s25 =	sadd.s32 s10, s22;
	v34 =	vand.u32 $0x7F, v34;
	v37 =	vld.idx.msk [tilespmem:v28+s3+$0x0], $0xffff;
	v13 =	vmul.f32 v13, v29  }
0x11a: {  	v15 =	vadd.f32 v15, v18;
	v47 =	vmov s25;
	v38 =	vor.u32 v6, v34;
	v28 =	vld.idx.msk [tilespmem:v28+s20+$0x0], $0xffff  }
0x11b: {  	v22 =	vmul.f32 v36, v27;
	v40 =	vld.idx.msk [tilespmem:v30+s3+$0x0], $0xffff;
	v13 =	vadd.f32 v13, v19;
	v41 =	vmul.f32 v24, v31  }
0x11c: {  	v42 =	vor.u32 v6, v39;
	v49 =	vshrl.u32 v47, $0x7;
	v21 =	vmul.f32 v63, v25;
	v43 =	vld.idx.msk [tilespmem:v30+s20+$0x0], $0xffff  }
0x11d: {  	v15 =	vadd.f32 v22, v15;
	v44 =	vld.idx.msk [tilespmem:v32+s3+$0x0], $0xffff;
	v45 =	vmul.f32 v26, v33;
	v13 =	vadd.f32 v41, v13  }
0x11e: {  	v51 =	vshll.u32 v49, $0x9;
	v20 =	vmul.f32 v62, v61;
	v46 =	vld.idx.msk [tilespmem:v32+s20+$0x0], $0xffff  }
0x11f: {  	v15 =	vadd.f32 v21, v15;
	v48 =	vld.idx.msk [tilespmem:v38+s3+$0x0], $0xffff;
	v17 =	vmul.f32 v28, v37;
	v13 =	vadd.f32 v45, v13  }
0x120: {  	v14 =	vmul.f32 v16, v14;
	v16 =	vbroadcast v51, $0x0;
	v50 =	vld.idx.msk [tilespmem:v38+s20+$0x0], $0xffff  }
0x121: {  	v52 =	vld.idx.msk [tilespmem:v42+s3+$0x0], $0xffff;
	v15 =	vadd.f32 v20, v15;
	v53 =	vmul.f32 v43, v40;
	v13 =	vadd.f32 v17, v13  }
0x122: {  	v11 =	vmul.f32 v12, v11;
	v6 =	vld.idx.msk [tilespmem:v42+s20+$0x0], $0xffff;
	v4 =	vor.u32 v4, v16;
	v5 =	vor.u32 v16, v5  }
0x123: {  	v54 =	vadd.f32 v14, v15;
	v55 =	vmul.f32 v46, v44;
	v13 =	vadd.f32 v53, v13  }
0x124: {  	v7 =	vmul.f32 v9, v7;
	v59 =	vor.u32 v1, v5  }
0x125: {  	v58 =	vmul.f32 v50, v48;
	v56 =	vadd.f32 v11, v54;
	v57 =	vadd.f32 v55, v13  }
0x126: {  	v8 =	vmul.f32 v10, v8;
	v61 =	vor.u32 v2, v5  }
0x127: {  	v6 =	vmul.f32 v6, v52;
	v7 =	vadd.f32 v7, v56;
	v60 =	vadd.f32 v58, v57  }
0x128: {  	v4 =	vld.idx.msk [tilespmem:v4+s19+$0x0], $0xffff  }
0x129: {  	v7 =	vadd.f32 v8, v7;
	v6 =	vadd.f32 v6, v60  }
0x12a: {  	v62 =	vld.idx.msk [tilespmem:v59+s19+$0x0], $0xffff  }
0x12b: {  	v6 =	vadd.f32 v6, v7  }
0x12c: {  	v63 =	vld.idx.msk [tilespmem:v61+s19+$0x0], $0xffff  }
0x12d: {  	s14 =	sadd.s32 $0x1, s14;
	v4 =	vadd.f32 v4, v6  }
0x12e: {  	p1 =	sne.s32 s14, $0x8;
	v5 =	vor.u32 v3, v5  }
.Ltmp5:
0x12f: {  	v4 =	vadd.f32 v62, v4;
	(pc) =	sbr.rel @p1 .LBB2_7-.Ltmp5, $3  }
0x130: {  	_ = 	snop  }
0x131: {  	v4 =	vadd.f32 v63, v4;
	_ =	sdelay $0x1  }
0x132: {  	[tilespmem:v5+s19+$0x0] =	vst.idx.msk $0xffff, v4  }
.Ltmp6:
0x133: {  	(pc) =	sbr.rel @!p0 .LBB2_12-.Ltmp6, $4  }
0x134: {  	s10 =	sor.u32 s6, s10;
	s9 =	sshll.u32 s9, $0x9  }
0x135: {  	s10 =	sshrl.u32 s10, $0x3;
	s9 =	sand.u32 $0x3FFFFE00, s9  }
0x136: {  	s10 =	sadd.s32 s4, s10;
	s9 =	sadd.s32 $0x10580, s9  }
0x137: {  	[hbm4b:s10+s5] =	stream.linear.scatter [tilespmem:s9], [sflag:$0x4], $0x80, $0x38;
	[tilespmem:$0x10C00] =	vst v63  }
0x138: {  	[tilespmem:s3], [sflag:$0x2] =	stream.indirect.gather [hbm4b:s1+s15], $0x80, s24, s15, $0xb8;
	[tilespmem:$0x10C00] =	vst v63  }
0x139: {  	_ = 	snop  }
0x13a: {  	[tilespmem:s20], [sflag:$0x2] =	stream.indirect.gather [hbm4b:s2+s15], $0x80, s28, s15, $0xb8;
	[tilespmem:$0x10C00] =	vst v63  }
.Ltmp7:
0x13b: {  	_ = 	snop;
	(pc) =	sbr.rel .LBB2_2-.Ltmp7, $4  }
0x13c: {  	_ = 	snop  }
0x13d: {  	[tilespmem:s31], [sflag:$0x2] =	stream.indirect.gather [hbm4b:s7+s15], $0x1, s24, s15, $0xb8;
	[tilespmem:$0x10C00] =	vst v63  }
0x13e: {  	s9 =	simm.s32 $0x1;
	p0 =	por $0x0, $0x0  }
0x13f: {  	[tilespmem:s0], [sflag:$0x2] =	stream.indirect.gather [hbm4b:s8+s15], $0x1, s28, s15, $0xb8;
	[tilespmem:$0x10C00] =	vst v63  }
.LBB2_13:
0x140: {  	_ =	sfence.sel $0x180000  }
0x141: {  	[bflag:$0x0] =	sbarrier.arrive $0xFFFF  }
0x142: {  	_ =	strace $0x90000047  }
0x143: {  	s0 =	stileid.u32;
	[bflag:$0x2] =	sbarrier.arrive $0xFFFF  }
0x144: {  	p0 =	sne.s32 s0, $0x0;
	s0 =	rddreg [dreg:$0x7]  }
0x145: {  	s0 =	sadd.s32 @!p0 $0x100000, s0  }
0x146: {  	[sflag:s0] =	ssyncadd.tile.s32 @!p0 $0x1;
	_ =	shalt  }
.Lfunc_end2:
_tile_overlayer_lowered:
.L_overlay_start_2:
0x147: {  	(tag) =	ssettag $0x2  }
0x148: {  	s0 =	rddreg [dreg:$0x0];
	s2 =	stileid.u32  }
0x149: {  	s1 =	rddreg [dreg:$0x1];
	p0 =	sne.s32 s2, $0x0  }
0x14a: {  	s3 =	rddreg [dreg:$0x2];
	[bflag:$0x3] =	sbarrier.arrive $0xFFFF;
	s2 =	simm.s32 @!p0 $0x1C05  }
0x14b: {  	[timem:s3], [sflag:s2] =	dma.local @!p0 [hbm:s0], s1  }
0x14c: {  	s0 =	simm.s32 @!p0 $0x5  }
0x14d: {  	_ =	swait.ge @!p0 [sflag:s0], s1  }
0x14e: {  	s1 =	ssub.s32 @!p0 $0x0, s1;
	[sflag:s0] =	ssyncset.done @!p0 $0x0  }
0x14f: {  	[sflag:s0] =	ssyncadd.s32 @!p0 s1  }
0x150: {  	[bflag:$0x3] =	sbarrier.arrive $0xFFFF  }
0x151: {  	_ =	shalt  }

</sc_bundles>
